<compile_context>
chip_gen: v7x
topology: tpu7x:2x2x1
jax: 0.10.2.dev20260603
libtpu: 0.0.44.dev20260713+nightly
codegen_flags: <defaults>
</compile_context>

<pallas_src>
import numpy as np
import jax
import jax.numpy as jnp
from jax import lax
from jax.experimental import pallas as pl
from jax.experimental.pallas import tpu as pltpu
from jax.experimental.pallas import tpu_sc as plsc

N = 10000
E = 320000
D = 128
HID = 128
OUT = 64
NGRAPH = 128

NCORES = 2
NSUB = 16
NTILES = NCORES * NSUB
EPT = E // NTILES
CHUNK = 128
CHUNKS = -(-EPT // CHUNK)
EPT_PAD = CHUNKS * CHUNK
AGG_ROWS = 10112
ZROWS = AGG_ROWS // NSUB

_BN_C = 1.0 / np.sqrt(1.0 + 1e-5)

BLK = 1000
NBLK = N // BLK


def _sc_body(edges, h, out, agg, src_buf, dst_buf, rows, sem):
    cid = lax.axis_index("c")
    sid = lax.axis_index("s")
    wid = cid * NSUB + sid

    pltpu.sync_copy(edges.at[0, wid], src_buf)
    pltpu.sync_copy(edges.at[1, wid], dst_buf)

    def _zrow(r, c):
        for k in range(8):
            rows[r, pl.ds(k * 16, 16)] = jnp.zeros((16,), jnp.float32)
        return c

    lax.fori_loop(0, CHUNK, _zrow, 0)
    zbase = sid * ZROWS
    pltpu.sync_copy(rows, agg.at[pl.ds(zbase, 128)])
    pltpu.sync_copy(rows, agg.at[pl.ds(zbase + 128, 128)])
    pltpu.sync_copy(rows, agg.at[pl.ds(zbase + 256, 128)])
    pltpu.sync_copy(rows, agg.at[pl.ds(zbase + 384, 128)])
    pltpu.sync_copy(rows.at[pl.ds(0, ZROWS - 512)],
                    agg.at[pl.ds(zbase + 512, ZROWS - 512)])
    plsc.subcore_barrier()

    def _edge_chunk(j, c):
        pltpu.sync_copy(h.at[src_buf.at[j]], rows)
        pltpu.sync_copy(rows, agg.at[dst_buf.at[j]], add=True)
        return c

    lax.fori_loop(0, CHUNKS, _edge_chunk, 0)
    plsc.subcore_barrier()

    obase = sid * ZROWS
    pltpu.sync_copy(agg.at[pl.ds(obase, ZROWS)],
                    out.at[cid, pl.ds(obase, ZROWS)])


_sc_scatter = pl.kernel(
    _sc_body,
    out_type=jax.ShapeDtypeStruct((NCORES, AGG_ROWS, D), jnp.float32),
    mesh=plsc.VectorSubcoreMesh(core_axis_name="c", subcore_axis_name="s",
                                num_cores=NCORES, num_subcores=NSUB),
    scratch_types=[
        pltpu.VMEM_SHARED((AGG_ROWS, D), jnp.float32),
        pltpu.VMEM((CHUNKS, CHUNK), jnp.int32),
        pltpu.VMEM((CHUNKS, CHUNK), jnp.int32),
        pltpu.VMEM((CHUNK, D), jnp.float32),
        pltpu.SemaphoreType.DMA,
    ],
)


def _mlp_math(eps_ref, h_ref, p0_ref, p1_ref, w1_ref, b1_ref, w2_ref, b2_ref):
    z = h_ref[...] * eps_ref[0, 0] + p0_ref[...] + p1_ref[...]
    z = jnp.dot(z, w1_ref[...], preferred_element_type=jnp.float32) + b1_ref[...]
    z = jnp.maximum(z, 0.0)
    z = jnp.dot(z, w2_ref[...], preferred_element_type=jnp.float32) + b2_ref[...]
    return jnp.maximum(z, 0.0)


def _mlp_body(eps_ref, h_ref, p0_ref, p1_ref, w1_ref, b1_ref, w2_ref, b2_ref,
              out_ref):
    out_ref[...] = _mlp_math(eps_ref, h_ref, p0_ref, p1_ref, w1_ref, b1_ref,
                             w2_ref, b2_ref)


def _mlp_pool_body(eps_ref, h_ref, p0_ref, p1_ref, w1_ref, b1_ref, w2_ref,
                   b2_ref, batch_ref, pooled_ref):
    hn = _mlp_math(eps_ref, h_ref, p0_ref, p1_ref, w1_ref, b1_ref, w2_ref,
                   b2_ref)
    seg = lax.broadcasted_iota(jnp.int32, (NGRAPH, BLK), 0)
    mask = (seg == batch_ref[0, 0, :][None, :]).astype(jnp.float32)
    contrib = jnp.dot(mask, hn, preferred_element_type=jnp.float32)
    i = pl.program_id(0)

    @pl.when(i == 0)
    def _():
        pooled_ref[...] = contrib

    @pl.when(i > 0)
    def _():
        pooled_ref[...] += contrib


def _head_body(pooled_ref, w1_ref, b1_ref, w2_ref, b2_ref, out_ref):
    z = jnp.dot(pooled_ref[...], w1_ref[...],
                preferred_element_type=jnp.float32) + b1_ref[...]
    z = jnp.maximum(z, 0.0)
    z = jnp.dot(z, w2_ref[...], preferred_element_type=jnp.float32) + b2_ref[...]
    m = jnp.max(z, axis=-1, keepdims=True)
    lse = jnp.log(jnp.sum(jnp.exp(z - m), axis=-1, keepdims=True)) + m
    out_ref[...] = z - lse


def _row_spec(i):
    return (i, 0)


def _fixed_spec(i):
    return (0, 0)


_COMMON_SPECS = [
    pl.BlockSpec(memory_space=pltpu.SMEM),
    pl.BlockSpec((BLK, D), _row_spec),
    pl.BlockSpec((BLK, D), _row_spec),
    pl.BlockSpec((BLK, D), _row_spec),
    pl.BlockSpec((D, 2 * HID), _fixed_spec),
    pl.BlockSpec((1, 2 * HID), _fixed_spec),
    pl.BlockSpec((2 * HID, HID), _fixed_spec),
    pl.BlockSpec((1, HID), _fixed_spec),
]

_mlp = pl.pallas_call(
    _mlp_body,
    grid=(NBLK,),
    in_specs=_COMMON_SPECS,
    out_specs=pl.BlockSpec((BLK, D), _row_spec),
    out_shape=jax.ShapeDtypeStruct((N, HID), jnp.float32),
)

_mlp_pool = pl.pallas_call(
    _mlp_pool_body,
    grid=(NBLK,),
    in_specs=_COMMON_SPECS + [pl.BlockSpec((1, 1, BLK), lambda i: (i, 0, 0))],
    out_specs=pl.BlockSpec((NGRAPH, HID), _fixed_spec),
    out_shape=jax.ShapeDtypeStruct((NGRAPH, HID), jnp.float32),
)

_head = pl.pallas_call(
    _head_body,
    out_shape=jax.ShapeDtypeStruct((NGRAPH, OUT), jnp.float32),
)


def kernel(x, edge_index, batch, params):
    pad = EPT_PAD - EPT
    src = jnp.concatenate(
        [edge_index[0].reshape(NTILES, EPT),
         jnp.zeros((NTILES, pad), jnp.int32)], axis=1)
    dst = jnp.concatenate(
        [edge_index[1].reshape(NTILES, EPT),
         jnp.full((NTILES, pad), N, jnp.int32)], axis=1)
    edges = jnp.stack([src, dst]).reshape(2, NTILES, CHUNKS, CHUNK)
    batch_r = batch.reshape(NBLK, 1, BLK)

    h = x
    nlayers = len(params["layers"])
    pooled = None
    for li, lp in enumerate(params["layers"]):
        a1 = lp["g1"] * _BN_C
        w1 = lp["W1"] * a1[None, :]
        b1 = (lp["b1"] * a1 + lp["be1"]).reshape(1, 2 * HID)
        a2 = lp["g2"] * _BN_C
        w2 = lp["W2"] * a2[None, :]
        b2 = (lp["b2"] * a2 + lp["be2"]).reshape(1, HID)
        onepe = (1.0 + lp["eps"]).astype(jnp.float32).reshape(1, 1)
        part = _sc_scatter(edges, h)
        if li < nlayers - 1:
            h = _mlp(onepe, h, part[0], part[1], w1, b1, w2, b2)
        else:
            pooled = _mlp_pool(onepe, h, part[0], part[1], w1, b1, w2, b2,
                               batch_r)

    a3 = params["g3"] * _BN_C
    l1w = params["lin1_W"] * a3[None, :]
    l1b = (params["lin1_b"] * a3 + params["be3"]).reshape(1, HID)
    l2b = params["lin2_b"].reshape(1, OUT)
    return _head(pooled, l1w, l1b, params["lin2_W"], l2b)

# --- scband reference (transcript-rebuilt; emitter-appended) ---
"""Pipeline reference for scband-net-3350074490963 (READ-ONLY COPY).

The authoritative reference and input builder live on the scoring server;
editing this copy changes nothing except your own understanding.
"""

import jax, jax.numpy as jnp
import numpy as np

N = 10000
E = 320000
D_IN = 128
HID = 128
OUT = 64
LAYERS = 3
NGRAPH = 128
BN_EPS = 1e-5


def _bn_eval(x, gamma, beta):
    # eval-mode BatchNorm1d with running_mean=0, running_var=1
    return gamma * (x / np.sqrt(1.0 + BN_EPS)) + beta


def setup_inputs(seed: int = 0) -> dict:
    key = jax.random.key(seed)
    ks = jax.random.split(key, 64)
    x = jax.random.normal(ks[0], (N, D_IN), dtype=jnp.float32)
    edge_index = jax.random.randint(ks[1], (2, E), 0, N, dtype=jnp.int32)
    batch = jnp.sort(jax.random.randint(ks[2], (N,), 0, NGRAPH, dtype=jnp.int32))

    layers = []
    in_ch = D_IN
    ki = 3
    for i in range(LAYERS):
        lp = {
            "eps": jnp.zeros((), dtype=jnp.float32),
            "W1": jax.random.normal(ks[ki + 0], (in_ch, 2 * HID), dtype=jnp.float32) / np.sqrt(in_ch),
            "b1": jnp.zeros((2 * HID,), dtype=jnp.float32),
            "g1": jnp.ones((2 * HID,), dtype=jnp.float32),
            "be1": jnp.zeros((2 * HID,), dtype=jnp.float32),
            "W2": jax.random.normal(ks[ki + 1], (2 * HID, HID), dtype=jnp.float32) / np.sqrt(2 * HID),
            "b2": jnp.zeros((HID,), dtype=jnp.float32),
            "g2": jnp.ones((HID,), dtype=jnp.float32),
            "be2": jnp.zeros((HID,), dtype=jnp.float32),
        }
        layers.append(lp)
        in_ch = HID
        ki += 2
    params = {
        "layers": layers,
        "lin1_W": jax.random.normal(ks[ki + 0], (HID, HID), dtype=jnp.float32) / np.sqrt(HID),
        "lin1_b": jnp.zeros((HID,), dtype=jnp.float32),
        "g3": jnp.ones((HID,), dtype=jnp.float32),
        "be3": jnp.zeros((HID,), dtype=jnp.float32),
        "lin2_W": jax.random.normal(ks[ki + 1], (HID, OUT), dtype=jnp.float32) / np.sqrt(HID),
        "lin2_b": jnp.zeros((OUT,), dtype=jnp.float32),
    }
    return {"x": x, "edge_index": edge_index, "batch": batch, "params": params}


def reference(x, edge_index, batch, params):
    src = edge_index[0]
    dst = edge_index[1]
    h = x
    for lp in params["layers"]:
        # GINConv: mlp((1 + eps) * x + sum_{j in N(i)} x_j)
        msg = jnp.take(h, src, axis=0)
        agg = jax.ops.segment_sum(msg, dst, num_segments=h.shape[0])
        z = (1.0 + lp["eps"]) * h + agg
        z = z @ lp["W1"] + lp["b1"]
        z = _bn_eval(z, lp["g1"], lp["be1"])
        z = jax.nn.relu(z)
        z = z @ lp["W2"] + lp["b2"]
        # outer BatchNorm + ReLU
        h = jax.nn.relu(_bn_eval(z, lp["g2"], lp["be2"]))
    # global_add_pool
    pooled = jax.ops.segment_sum(h, batch, num_segments=NGRAPH)
    z = pooled @ params["lin1_W"] + params["lin1_b"]
    z = jax.nn.relu(_bn_eval(z, params["g3"], params["be3"]))
    # dropout disabled in eval mode
    z = z @ params["lin2_W"] + params["lin2_b"]
    return jax.nn.log_softmax(z, axis=-1)

if __name__ == "__main__":
    import jax
    _d = setup_inputs()
    print(jax.jit(kernel)(*tuple(_d.values())))

</pallas_src>

<mosaic_0001>
#map = affine_map<(d0, d1) -> (0, 0, 0, 0)>
#map1 = affine_map<(d0, d1) -> (0, 0)>
#map2 = affine_map<(d0, d1) -> (0, 0, 0)>
module attributes {stable_mosaic.version = 14 : i64} {
  func.func @_sc_body(%arg0: i32, %arg1: i32, %arg2: memref<2x32x79x128xi32, #tpu.memory_space<hbm>>, %arg3: memref<10000x128xf32, #tpu.memory_space<hbm>>, %arg4: memref<2x10112x128xf32, #tpu.memory_space<hbm>>, %arg5: memref<10112x128xf32, #tpu.memory_space<vmem_shared>>, %arg6: memref<79x128xi32, #tpu.memory_space<vmem>>, %arg7: memref<79x128xi32, #tpu.memory_space<vmem>>, %arg8: memref<128x128xf32, #tpu.memory_space<vmem>>, %arg9: memref<!tpu.dma_semaphore, #tpu.memory_space<semaphore_mem>>) attributes {dimension_semantics = [#tpu.dimension_semantics<core_parallel>, #tpu.dimension_semantics<subcore_parallel>], iteration_bounds = array<i64: 2, 16>, scalar_prefetch = 0 : i64, scratch_operands = 5 : i64, tpu.core_type = #tpu.core_type<sc_vector_subcore>, window_params = [{transform_indices = #map}, {transform_indices = #map1}, {transform_indices = #map2}]} {
    %mul3A = arith.constant 16 : i32
    %mul3A_0 = arith.muli %arg0, %mul3A : i32
    %add3A = arith.addi %mul3A_0, %arg1 : i32
    %run_scoped3A = arith.constant 0 : i32
    "tpu.region"() ({
      %run_scoped3A_26 = tpu.sem_alloc : memref<!tpu.dma_semaphore, #tpu.memory_space<semaphore_mem>>
      %dma_start3A = arith.constant 0 : i32
      %dma_start3A_27 = arith.constant 0 : i32
      %dma_start3A_28 = tpu.memref_slice %arg2[%run_scoped3A, %add3A, %dma_start3A, %dma_start3A_27] : memref<2x32x79x128xi32, #tpu.memory_space<hbm>> -> memref<1x1x79x128xi32, #tpu.memory_space<hbm>>
      %dma_start3A_29 = tpu.memref_squeeze %dma_start3A_28 : memref<1x1x79x128xi32, #tpu.memory_space<hbm>> -> memref<79x128xi32, #tpu.memory_space<hbm>>
      %dma_start3A_30 = arith.constant 0 : i32
      %dma_start3A_31 = arith.constant 0 : i32
      %dma_start3A_32 = tpu.memref_slice %arg2[%run_scoped3A, %add3A, %dma_start3A_30, %dma_start3A_31] : memref<2x32x79x128xi32, #tpu.memory_space<hbm>> -> memref<1x1x79x128xi32, #tpu.memory_space<hbm>>
      %dma_start3A_33 = tpu.memref_squeeze %dma_start3A_32 : memref<1x1x79x128xi32, #tpu.memory_space<hbm>> -> memref<79x128xi32, #tpu.memory_space<hbm>>
      tpu.enqueue_dma source(%dma_start3A_33 : memref<79x128xi32, #tpu.memory_space<hbm>>) target(%arg6 : memref<79x128xi32, #tpu.memory_space<vmem>>) target_semaphore(%run_scoped3A_26 : memref<!tpu.dma_semaphore, #tpu.memory_space<semaphore_mem>>)
      %dma_wait3A = arith.constant 0 : i32
      %dma_wait3A_34 = arith.constant 0 : i32
      %dma_wait3A_35 = tpu.memref_slice %arg2[%run_scoped3A, %add3A, %dma_wait3A, %dma_wait3A_34] : memref<2x32x79x128xi32, #tpu.memory_space<hbm>> -> memref<1x1x79x128xi32, #tpu.memory_space<hbm>>
      %dma_wait3A_36 = tpu.memref_squeeze %dma_wait3A_35 : memref<1x1x79x128xi32, #tpu.memory_space<hbm>> -> memref<79x128xi32, #tpu.memory_space<hbm>>
      %dma_wait3A_37 = arith.constant 0 : i32
      %dma_wait3A_38 = arith.constant 0 : i32
      %dma_wait3A_39 = tpu.memref_slice %arg2[%run_scoped3A, %add3A, %dma_wait3A_37, %dma_wait3A_38] : memref<2x32x79x128xi32, #tpu.memory_space<hbm>> -> memref<1x1x79x128xi32, #tpu.memory_space<hbm>>
      %dma_wait3A_40 = tpu.memref_squeeze %dma_wait3A_39 : memref<1x1x79x128xi32, #tpu.memory_space<hbm>> -> memref<79x128xi32, #tpu.memory_space<hbm>>
      tpu.wait_dma2 semaphore(%run_scoped3A_26 : memref<!tpu.dma_semaphore, #tpu.memory_space<semaphore_mem>>) src(%dma_wait3A_40 : memref<79x128xi32, #tpu.memory_space<hbm>>) dst(%arg6 : memref<79x128xi32, #tpu.memory_space<vmem>>)
      tpu.yield
    }) : () -> ()
    %run_scoped3A_1 = arith.constant 1 : i32
    "tpu.region"() ({
      %run_scoped3A_26 = tpu.sem_alloc : memref<!tpu.dma_semaphore, #tpu.memory_space<semaphore_mem>>
      %dma_start3A = arith.constant 0 : i32
      %dma_start3A_27 = arith.constant 0 : i32
      %dma_start3A_28 = tpu.memref_slice %arg2[%run_scoped3A_1, %add3A, %dma_start3A, %dma_start3A_27] : memref<2x32x79x128xi32, #tpu.memory_space<hbm>> -> memref<1x1x79x128xi32, #tpu.memory_space<hbm>>
      %dma_start3A_29 = tpu.memref_squeeze %dma_start3A_28 : memref<1x1x79x128xi32, #tpu.memory_space<hbm>> -> memref<79x128xi32, #tpu.memory_space<hbm>>
      %dma_start3A_30 = arith.constant 0 : i32
      %dma_start3A_31 = arith.constant 0 : i32
      %dma_start3A_32 = tpu.memref_slice %arg2[%run_scoped3A_1, %add3A, %dma_start3A_30, %dma_start3A_31] : memref<2x32x79x128xi32, #tpu.memory_space<hbm>> -> memref<1x1x79x128xi32, #tpu.memory_space<hbm>>
      %dma_start3A_33 = tpu.memref_squeeze %dma_start3A_32 : memref<1x1x79x128xi32, #tpu.memory_space<hbm>> -> memref<79x128xi32, #tpu.memory_space<hbm>>
      tpu.enqueue_dma source(%dma_start3A_33 : memref<79x128xi32, #tpu.memory_space<hbm>>) target(%arg7 : memref<79x128xi32, #tpu.memory_space<vmem>>) target_semaphore(%run_scoped3A_26 : memref<!tpu.dma_semaphore, #tpu.memory_space<semaphore_mem>>)
      %dma_wait3A = arith.constant 0 : i32
      %dma_wait3A_34 = arith.constant 0 : i32
      %dma_wait3A_35 = tpu.memref_slice %arg2[%run_scoped3A_1, %add3A, %dma_wait3A, %dma_wait3A_34] : memref<2x32x79x128xi32, #tpu.memory_space<hbm>> -> memref<1x1x79x128xi32, #tpu.memory_space<hbm>>
      %dma_wait3A_36 = tpu.memref_squeeze %dma_wait3A_35 : memref<1x1x79x128xi32, #tpu.memory_space<hbm>> -> memref<79x128xi32, #tpu.memory_space<hbm>>
      %dma_wait3A_37 = arith.constant 0 : i32
      %dma_wait3A_38 = arith.constant 0 : i32
      %dma_wait3A_39 = tpu.memref_slice %arg2[%run_scoped3A_1, %add3A, %dma_wait3A_37, %dma_wait3A_38] : memref<2x32x79x128xi32, #tpu.memory_space<hbm>> -> memref<1x1x79x128xi32, #tpu.memory_space<hbm>>
      %dma_wait3A_40 = tpu.memref_squeeze %dma_wait3A_39 : memref<1x1x79x128xi32, #tpu.memory_space<hbm>> -> memref<79x128xi32, #tpu.memory_space<hbm>>
      tpu.wait_dma2 semaphore(%run_scoped3A_26 : memref<!tpu.dma_semaphore, #tpu.memory_space<semaphore_mem>>) src(%dma_wait3A_40 : memref<79x128xi32, #tpu.memory_space<hbm>>) dst(%arg7 : memref<79x128xi32, #tpu.memory_space<vmem>>)
      tpu.yield
    }) : () -> ()
    %scan3A = arith.constant 0 : i32
    %scan3A_2 = arith.constant 0 : i32
    %scan3A_3 = arith.constant 128 : i32
    %scan3A_4 = arith.addi %scan3A_2, %scan3A_3 : i32
    %scan3A_5 = arith.constant 1 : i32
    scf.for %scan3A_26 = %scan3A_2 to %scan3A_4 step %scan3A_5  : i32 {
      %broadcast_in_dim3A = arith.constant 0.000000e+00 : f32
      %broadcast_in_dim3A_27 = vector.broadcast %broadcast_in_dim3A : f32 to vector<16xf32>
      %swap3A = arith.index_cast %scan3A_26 : i32 to index
      %swap3A_28 = arith.constant 0 : index
      %swap3A_29 = tpu.vector_load %arg8[%swap3A, %swap3A_28] {strides = array<i32>} : memref<128x128xf32, #tpu.memory_space<vmem>>, vector<1x16xf32>,
      %swap3A_30 = vector.shape_cast %swap3A_29 : vector<1x16xf32> to vector<16xf32>
      %swap3A_31 = vector.shape_cast %broadcast_in_dim3A_27 : vector<16xf32> to vector<1x16xf32>
      tpu.vector_store %arg8[%swap3A, %swap3A_28], %swap3A_31 {strides = array<i32>} : memref<128x128xf32, #tpu.memory_space<vmem>>, vector<1x16xf32>,
      %broadcast_in_dim3A_32 = arith.constant 0.000000e+00 : f32
      %broadcast_in_dim3A_33 = vector.broadcast %broadcast_in_dim3A_32 : f32 to vector<16xf32>
      %swap3A_34 = arith.index_cast %scan3A_26 : i32 to index
      %swap3A_35 = arith.constant 16 : index
      %swap3A_36 = tpu.vector_load %arg8[%swap3A_34, %swap3A_35] {strides = array<i32>} : memref<128x128xf32, #tpu.memory_space<vmem>>, vector<1x16xf32>,
      %swap3A_37 = vector.shape_cast %swap3A_36 : vector<1x16xf32> to vector<16xf32>
      %swap3A_38 = vector.shape_cast %broadcast_in_dim3A_33 : vector<16xf32> to vector<1x16xf32>
      tpu.vector_store %arg8[%swap3A_34, %swap3A_35], %swap3A_38 {strides = array<i32>} : memref<128x128xf32, #tpu.memory_space<vmem>>, vector<1x16xf32>,
      %broadcast_in_dim3A_39 = arith.constant 0.000000e+00 : f32
      %broadcast_in_dim3A_40 = vector.broadcast %broadcast_in_dim3A_39 : f32 to vector<16xf32>
      %swap3A_41 = arith.index_cast %scan3A_26 : i32 to index
      %swap3A_42 = arith.constant 32 : index
      %swap3A_43 = tpu.vector_load %arg8[%swap3A_41, %swap3A_42] {strides = array<i32>} : memref<128x128xf32, #tpu.memory_space<vmem>>, vector<1x16xf32>,
      %swap3A_44 = vector.shape_cast %swap3A_43 : vector<1x16xf32> to vector<16xf32>
      %swap3A_45 = vector.shape_cast %broadcast_in_dim3A_40 : vector<16xf32> to vector<1x16xf32>
      tpu.vector_store %arg8[%swap3A_41, %swap3A_42], %swap3A_45 {strides = array<i32>} : memref<128x128xf32, #tpu.memory_space<vmem>>, vector<1x16xf32>,
      %broadcast_in_dim3A_46 = arith.constant 0.000000e+00 : f32
      %broadcast_in_dim3A_47 = vector.broadcast %broadcast_in_dim3A_46 : f32 to vector<16xf32>
      %swap3A_48 = arith.index_cast %scan3A_26 : i32 to index
      %swap3A_49 = arith.constant 48 : index
      %swap3A_50 = tpu.vector_load %arg8[%swap3A_48, %swap3A_49] {strides = array<i32>} : memref<128x128xf32, #tpu.memory_space<vmem>>, vector<1x16xf32>,
      %swap3A_51 = vector.shape_cast %swap3A_50 : vector<1x16xf32> to vector<16xf32>
      %swap3A_52 = vector.shape_cast %broadcast_in_dim3A_47 : vector<16xf32> to vector<1x16xf32>
      tpu.vector_store %arg8[%swap3A_48, %swap3A_49], %swap3A_52 {strides = array<i32>} : memref<128x128xf32, #tpu.memory_space<vmem>>, vector<1x16xf32>,
      %broadcast_in_dim3A_53 = arith.constant 0.000000e+00 : f32
      %broadcast_in_dim3A_54 = vector.broadcast %broadcast_in_dim3A_53 : f32 to vector<16xf32>
      %swap3A_55 = arith.index_cast %scan3A_26 : i32 to index
      %swap3A_56 = arith.constant 64 : index
      %swap3A_57 = tpu.vector_load %arg8[%swap3A_55, %swap3A_56] {strides = array<i32>} : memref<128x128xf32, #tpu.memory_space<vmem>>, vector<1x16xf32>,
      %swap3A_58 = vector.shape_cast %swap3A_57 : vector<1x16xf32> to vector<16xf32>
      %swap3A_59 = vector.shape_cast %broadcast_in_dim3A_54 : vector<16xf32> to vector<1x16xf32>
      tpu.vector_store %arg8[%swap3A_55, %swap3A_56], %swap3A_59 {strides = array<i32>} : memref<128x128xf32, #tpu.memory_space<vmem>>, vector<1x16xf32>,
      %broadcast_in_dim3A_60 = arith.constant 0.000000e+00 : f32
      %broadcast_in_dim3A_61 = vector.broadcast %broadcast_in_dim3A_60 : f32 to vector<16xf32>
      %swap3A_62 = arith.index_cast %scan3A_26 : i32 to index
      %swap3A_63 = arith.constant 80 : index
      %swap3A_64 = tpu.vector_load %arg8[%swap3A_62, %swap3A_63] {strides = array<i32>} : memref<128x128xf32, #tpu.memory_space<vmem>>, vector<1x16xf32>,
      %swap3A_65 = vector.shape_cast %swap3A_64 : vector<1x16xf32> to vector<16xf32>
      %swap3A_66 = vector.shape_cast %broadcast_in_dim3A_61 : vector<16xf32> to vector<1x16xf32>
      tpu.vector_store %arg8[%swap3A_62, %swap3A_63], %swap3A_66 {strides = array<i32>} : memref<128x128xf32, #tpu.memory_space<vmem>>, vector<1x16xf32>,
      %broadcast_in_dim3A_67 = arith.constant 0.000000e+00 : f32
      %broadcast_in_dim3A_68 = vector.broadcast %broadcast_in_dim3A_67 : f32 to vector<16xf32>
      %swap3A_69 = arith.index_cast %scan3A_26 : i32 to index
      %swap3A_70 = arith.constant 96 : index
      %swap3A_71 = tpu.vector_load %arg8[%swap3A_69, %swap3A_70] {strides = array<i32>} : memref<128x128xf32, #tpu.memory_space<vmem>>, vector<1x16xf32>,
      %swap3A_72 = vector.shape_cast %swap3A_71 : vector<1x16xf32> to vector<16xf32>
      %swap3A_73 = vector.shape_cast %broadcast_in_dim3A_68 : vector<16xf32> to vector<1x16xf32>
      tpu.vector_store %arg8[%swap3A_69, %swap3A_70], %swap3A_73 {strides = array<i32>} : memref<128x128xf32, #tpu.memory_space<vmem>>, vector<1x16xf32>,
      %broadcast_in_dim3A_74 = arith.constant 0.000000e+00 : f32
      %broadcast_in_dim3A_75 = vector.broadcast %broadcast_in_dim3A_74 : f32 to vector<16xf32>
      %swap3A_76 = arith.index_cast %scan3A_26 : i32 to index
      %swap3A_77 = arith.constant 112 : index
      %swap3A_78 = tpu.vector_load %arg8[%swap3A_76, %swap3A_77] {strides = array<i32>} : memref<128x128xf32, #tpu.memory_space<vmem>>, vector<1x16xf32>,
      %swap3A_79 = vector.shape_cast %swap3A_78 : vector<1x16xf32> to vector<16xf32>
      %swap3A_80 = vector.shape_cast %broadcast_in_dim3A_75 : vector<16xf32> to vector<1x16xf32>
      tpu.vector_store %arg8[%swap3A_76, %swap3A_77], %swap3A_80 {strides = array<i32>} : memref<128x128xf32, #tpu.memory_space<vmem>>, vector<1x16xf32>,
    }
    %scan3A_6 = arith.constant 128 : i32
    %mul3A_7 = arith.constant 632 : i32
    %mul3A_8 = arith.muli %arg1, %mul3A_7 : i32
    "tpu.region"() ({
      %run_scoped3A_26 = tpu.sem_alloc : memref<!tpu.dma_semaphore, #tpu.memory_space<semaphore_mem>>
      %dma_start3A = arith.constant 0 : i32
      %dma_start3A_27 = tpu.memref_slice %arg5[%mul3A_8, %dma_start3A] : memref<10112x128xf32, #tpu.memory_space<vmem_shared>> -> memref<128x128xf32, #tpu.memory_space<vmem_shared>>
      %dma_start3A_28 = arith.constant 0 : i32
      %dma_start3A_29 = tpu.memref_slice %arg5[%mul3A_8, %dma_start3A_28] : memref<10112x128xf32, #tpu.memory_space<vmem_shared>> -> memref<128x128xf32, #tpu.memory_space<vmem_shared>>
      tpu.enqueue_dma source(%arg8 : memref<128x128xf32, #tpu.memory_space<vmem>>) target(%dma_start3A_29 : memref<128x128xf32, #tpu.memory_space<vmem_shared>>) target_semaphore(%run_scoped3A_26 : memref<!tpu.dma_semaphore, #tpu.memory_space<semaphore_mem>>)
      %dma_wait3A = arith.constant 0 : i32
      %dma_wait3A_30 = tpu.memref_slice %arg5[%mul3A_8, %dma_wait3A] : memref<10112x128xf32, #tpu.memory_space<vmem_shared>> -> memref<128x128xf32, #tpu.memory_space<vmem_shared>>
      %dma_wait3A_31 = arith.constant 0 : i32
      %dma_wait3A_32 = tpu.memref_slice %arg5[%mul3A_8, %dma_wait3A_31] : memref<10112x128xf32, #tpu.memory_space<vmem_shared>> -> memref<128x128xf32, #tpu.memory_space<vmem_shared>>
      tpu.wait_dma2 semaphore(%run_scoped3A_26 : memref<!tpu.dma_semaphore, #tpu.memory_space<semaphore_mem>>) src(%arg8 : memref<128x128xf32, #tpu.memory_space<vmem>>) dst(%dma_wait3A_32 : memref<128x128xf32, #tpu.memory_space<vmem_shared>>)
      tpu.yield
    }) : () -> ()
    %add3A_9 = arith.constant 128 : i32
    %add3A_10 = arith.addi %mul3A_8, %add3A_9 : i32
    "tpu.region"() ({
      %run_scoped3A_26 = tpu.sem_alloc : memref<!tpu.dma_semaphore, #tpu.memory_space<semaphore_mem>>
      %dma_start3A = arith.constant 0 : i32
      %dma_start3A_27 = tpu.memref_slice %arg5[%add3A_10, %dma_start3A] : memref<10112x128xf32, #tpu.memory_space<vmem_shared>> -> memref<128x128xf32, #tpu.memory_space<vmem_shared>>
      %dma_start3A_28 = arith.constant 0 : i32
      %dma_start3A_29 = tpu.memref_slice %arg5[%add3A_10, %dma_start3A_28] : memref<10112x128xf32, #tpu.memory_space<vmem_shared>> -> memref<128x128xf32, #tpu.memory_space<vmem_shared>>
      tpu.enqueue_dma source(%arg8 : memref<128x128xf32, #tpu.memory_space<vmem>>) target(%dma_start3A_29 : memref<128x128xf32, #tpu.memory_space<vmem_shared>>) target_semaphore(%run_scoped3A_26 : memref<!tpu.dma_semaphore, #tpu.memory_space<semaphore_mem>>)
      %dma_wait3A = arith.constant 0 : i32
      %dma_wait3A_30 = tpu.memref_slice %arg5[%add3A_10, %dma_wait3A] : memref<10112x128xf32, #tpu.memory_space<vmem_shared>> -> memref<128x128xf32, #tpu.memory_space<vmem_shared>>
      %dma_wait3A_31 = arith.constant 0 : i32
      %dma_wait3A_32 = tpu.memref_slice %arg5[%add3A_10, %dma_wait3A_31] : memref<10112x128xf32, #tpu.memory_space<vmem_shared>> -> memref<128x128xf32, #tpu.memory_space<vmem_shared>>
      tpu.wait_dma2 semaphore(%run_scoped3A_26 : memref<!tpu.dma_semaphore, #tpu.memory_space<semaphore_mem>>) src(%arg8 : memref<128x128xf32, #tpu.memory_space<vmem>>) dst(%dma_wait3A_32 : memref<128x128xf32, #tpu.memory_space<vmem_shared>>)
      tpu.yield
    }) : () -> ()
    %add3A_11 = arith.constant 256 : i32
    %add3A_12 = arith.addi %mul3A_8, %add3A_11 : i32
    "tpu.region"() ({
      %run_scoped3A_26 = tpu.sem_alloc : memref<!tpu.dma_semaphore, #tpu.memory_space<semaphore_mem>>
      %dma_start3A = arith.constant 0 : i32
      %dma_start3A_27 = tpu.memref_slice %arg5[%add3A_12, %dma_start3A] : memref<10112x128xf32, #tpu.memory_space<vmem_shared>> -> memref<128x128xf32, #tpu.memory_space<vmem_shared>>
      %dma_start3A_28 = arith.constant 0 : i32
      %dma_start3A_29 = tpu.memref_slice %arg5[%add3A_12, %dma_start3A_28] : memref<10112x128xf32, #tpu.memory_space<vmem_shared>> -> memref<128x128xf32, #tpu.memory_space<vmem_shared>>
      tpu.enqueue_dma source(%arg8 : memref<128x128xf32, #tpu.memory_space<vmem>>) target(%dma_start3A_29 : memref<128x128xf32, #tpu.memory_space<vmem_shared>>) target_semaphore(%run_scoped3A_26 : memref<!tpu.dma_semaphore, #tpu.memory_space<semaphore_mem>>)
      %dma_wait3A = arith.constant 0 : i32
      %dma_wait3A_30 = tpu.memref_slice %arg5[%add3A_12, %dma_wait3A] : memref<10112x128xf32, #tpu.memory_space<vmem_shared>> -> memref<128x128xf32, #tpu.memory_space<vmem_shared>>
      %dma_wait3A_31 = arith.constant 0 : i32
      %dma_wait3A_32 = tpu.memref_slice %arg5[%add3A_12, %dma_wait3A_31] : memref<10112x128xf32, #tpu.memory_space<vmem_shared>> -> memref<128x128xf32, #tpu.memory_space<vmem_shared>>
      tpu.wait_dma2 semaphore(%run_scoped3A_26 : memref<!tpu.dma_semaphore, #tpu.memory_space<semaphore_mem>>) src(%arg8 : memref<128x128xf32, #tpu.memory_space<vmem>>) dst(%dma_wait3A_32 : memref<128x128xf32, #tpu.memory_space<vmem_shared>>)
      tpu.yield
    }) : () -> ()
    %add3A_13 = arith.constant 384 : i32
    %add3A_14 = arith.addi %mul3A_8, %add3A_13 : i32
    "tpu.region"() ({
      %run_scoped3A_26 = tpu.sem_alloc : memref<!tpu.dma_semaphore, #tpu.memory_space<semaphore_mem>>
      %dma_start3A = arith.constant 0 : i32
      %dma_start3A_27 = tpu.memref_slice %arg5[%add3A_14, %dma_start3A] : memref<10112x128xf32, #tpu.memory_space<vmem_shared>> -> memref<128x128xf32, #tpu.memory_space<vmem_shared>>
      %dma_start3A_28 = arith.constant 0 : i32
      %dma_start3A_29 = tpu.memref_slice %arg5[%add3A_14, %dma_start3A_28] : memref<10112x128xf32, #tpu.memory_space<vmem_shared>> -> memref<128x128xf32, #tpu.memory_space<vmem_shared>>
      tpu.enqueue_dma source(%arg8 : memref<128x128xf32, #tpu.memory_space<vmem>>) target(%dma_start3A_29 : memref<128x128xf32, #tpu.memory_space<vmem_shared>>) target_semaphore(%run_scoped3A_26 : memref<!tpu.dma_semaphore, #tpu.memory_space<semaphore_mem>>)
      %dma_wait3A = arith.constant 0 : i32
      %dma_wait3A_30 = tpu.memref_slice %arg5[%add3A_14, %dma_wait3A] : memref<10112x128xf32, #tpu.memory_space<vmem_shared>> -> memref<128x128xf32, #tpu.memory_space<vmem_shared>>
      %dma_wait3A_31 = arith.constant 0 : i32
      %dma_wait3A_32 = tpu.memref_slice %arg5[%add3A_14, %dma_wait3A_31] : memref<10112x128xf32, #tpu.memory_space<vmem_shared>> -> memref<128x128xf32, #tpu.memory_space<vmem_shared>>
      tpu.wait_dma2 semaphore(%run_scoped3A_26 : memref<!tpu.dma_semaphore, #tpu.memory_space<semaphore_mem>>) src(%arg8 : memref<128x128xf32, #tpu.memory_space<vmem>>) dst(%dma_wait3A_32 : memref<128x128xf32, #tpu.memory_space<vmem_shared>>)
      tpu.yield
    }) : () -> ()
    %add3A_15 = arith.constant 512 : i32
    %add3A_16 = arith.addi %mul3A_8, %add3A_15 : i32
    "tpu.region"() ({
      %run_scoped3A_26 = tpu.sem_alloc : memref<!tpu.dma_semaphore, #tpu.memory_space<semaphore_mem>>
      %dma_start3A = arith.constant 0 : i32
      %dma_start3A_27 = arith.constant 0 : i32
      %dma_start3A_28 = tpu.memref_slice %arg8[%dma_start3A, %dma_start3A_27] : memref<128x128xf32, #tpu.memory_space<vmem>> -> memref<120x128xf32, #tpu.memory_space<vmem>>
      %dma_start3A_29 = arith.constant 0 : i32
      %dma_start3A_30 = tpu.memref_slice %arg5[%add3A_16, %dma_start3A_29] : memref<10112x128xf32, #tpu.memory_space<vmem_shared>> -> memref<120x128xf32, #tpu.memory_space<vmem_shared>>
      %dma_start3A_31 = arith.constant 0 : i32
      %dma_start3A_32 = tpu.memref_slice %arg5[%add3A_16, %dma_start3A_31] : memref<10112x128xf32, #tpu.memory_space<vmem_shared>> -> memref<120x128xf32, #tpu.memory_space<vmem_shared>>
      %dma_start3A_33 = arith.constant 0 : i32
      %dma_start3A_34 = arith.constant 0 : i32
      %dma_start3A_35 = tpu.memref_slice %arg8[%dma_start3A_33, %dma_start3A_34] : memref<128x128xf32, #tpu.memory_space<vmem>> -> memref<120x128xf32, #tpu.memory_space<vmem>>
      tpu.enqueue_dma source(%dma_start3A_35 : memref<120x128xf32, #tpu.memory_space<vmem>>) target(%dma_start3A_32 : memref<120x128xf32, #tpu.memory_space<vmem_shared>>) target_semaphore(%run_scoped3A_26 : memref<!tpu.dma_semaphore, #tpu.memory_space<semaphore_mem>>)
      %dma_wait3A = arith.constant 0 : i32
      %dma_wait3A_36 = arith.constant 0 : i32
      %dma_wait3A_37 = tpu.memref_slice %arg8[%dma_wait3A, %dma_wait3A_36] : memref<128x128xf32, #tpu.memory_space<vmem>> -> memref<120x128xf32, #tpu.memory_space<vmem>>
      %dma_wait3A_38 = arith.constant 0 : i32
      %dma_wait3A_39 = tpu.memref_slice %arg5[%add3A_16, %dma_wait3A_38] : memref<10112x128xf32, #tpu.memory_space<vmem_shared>> -> memref<120x128xf32, #tpu.memory_space<vmem_shared>>
      %dma_wait3A_40 = arith.constant 0 : i32
      %dma_wait3A_41 = tpu.memref_slice %arg5[%add3A_16, %dma_wait3A_40] : memref<10112x128xf32, #tpu.memory_space<vmem_shared>> -> memref<120x128xf32, #tpu.memory_space<vmem_shared>>
      %dma_wait3A_42 = arith.constant 0 : i32
      %dma_wait3A_43 = arith.constant 0 : i32
      %dma_wait3A_44 = tpu.memref_slice %arg8[%dma_wait3A_42, %dma_wait3A_43] : memref<128x128xf32, #tpu.memory_space<vmem>> -> memref<120x128xf32, #tpu.memory_space<vmem>>
      tpu.wait_dma2 semaphore(%run_scoped3A_26 : memref<!tpu.dma_semaphore, #tpu.memory_space<semaphore_mem>>) src(%dma_wait3A_44 : memref<120x128xf32, #tpu.memory_space<vmem>>) dst(%dma_wait3A_41 : memref<120x128xf32, #tpu.memory_space<vmem_shared>>)
      tpu.yield
    }) : () -> ()
    %barrier3A = arith.constant 0 : index
    tpu.barrier barrier_id(%barrier3A)
    %scan3A_17 = arith.constant 0 : i32
    %scan3A_18 = arith.constant 0 : i32
    %scan3A_19 = arith.constant 79 : i32
    %scan3A_20 = arith.addi %scan3A_18, %scan3A_19 : i32
    %scan3A_21 = arith.constant 1 : i32
    scf.for %scan3A_26 = %scan3A_18 to %scan3A_20 step %scan3A_21  : i32 {
      "tpu.region"() ({
        %run_scoped3A_27 = tpu.sem_alloc : memref<!tpu.dma_semaphore, #tpu.memory_space<semaphore_mem>>
        %dma_start3A = arith.constant 0 : i32
        %dma_start3A_28 = tpu.memref_slice %arg6[%scan3A_26, %dma_start3A] : memref<79x128xi32, #tpu.memory_space<vmem>> -> memref<1x128xi32, #tpu.memory_space<vmem>>
        %dma_start3A_29 = tpu.memref_squeeze %dma_start3A_28 : memref<1x128xi32, #tpu.memory_space<vmem>> -> memref<128xi32, #tpu.memory_space<vmem>>
        %dma_start3A_30 = arith.constant 0 : i32
        %dma_start3A_31 = arith.constant 0 : i32
        %dma_start3A_32 = tpu.memref_slice %arg3[%dma_start3A_30, %dma_start3A_31] : memref<10000x128xf32, #tpu.memory_space<hbm>> -> memref<10000x128xf32, #tpu.memory_space<hbm>>
        tpu.enqueue_indirect_dma source(%dma_start3A_32 : memref<10000x128xf32, #tpu.memory_space<hbm>>) target(%arg8 : memref<128x128xf32, #tpu.memory_space<vmem>>) offsets(%dma_start3A_29 : memref<128xi32, #tpu.memory_space<vmem>>) semaphore(%run_scoped3A_27 : memref<!tpu.dma_semaphore, #tpu.memory_space<semaphore_mem>>)
        %dma_wait3A = arith.constant 0 : i32
        %dma_wait3A_33 = tpu.memref_slice %arg6[%scan3A_26, %dma_wait3A] : memref<79x128xi32, #tpu.memory_space<vmem>> -> memref<1x128xi32, #tpu.memory_space<vmem>>
        %dma_wait3A_34 = tpu.memref_squeeze %dma_wait3A_33 : memref<1x128xi32, #tpu.memory_space<vmem>> -> memref<128xi32, #tpu.memory_space<vmem>>
        %dma_wait3A_35 = arith.constant 0 : i32
        %dma_wait3A_36 = arith.constant 0 : i32
        %dma_wait3A_37 = tpu.memref_slice %arg3[%dma_wait3A_35, %dma_wait3A_36] : memref<10000x128xf32, #tpu.memory_space<hbm>> -> memref<10000x128xf32, #tpu.memory_space<hbm>>
        tpu.wait_indirect_dma semaphore(%run_scoped3A_27 : memref<!tpu.dma_semaphore, #tpu.memory_space<semaphore_mem>>) src(%dma_wait3A_37 : memref<10000x128xf32, #tpu.memory_space<hbm>>) dst(%arg8 : memref<128x128xf32, #tpu.memory_space<vmem>>)
        tpu.yield
      }) : () -> ()
      "tpu.region"() ({
        %run_scoped3A_27 = tpu.sem_alloc : memref<!tpu.dma_semaphore, #tpu.memory_space<semaphore_mem>>
        %dma_start3A = arith.constant 0 : i32
        %dma_start3A_28 = tpu.memref_slice %arg7[%scan3A_26, %dma_start3A] : memref<79x128xi32, #tpu.memory_space<vmem>> -> memref<1x128xi32, #tpu.memory_space<vmem>>
        %dma_start3A_29 = tpu.memref_squeeze %dma_start3A_28 : memref<1x128xi32, #tpu.memory_space<vmem>> -> memref<128xi32, #tpu.memory_space<vmem>>
        %dma_start3A_30 = arith.constant 0 : i32
        %dma_start3A_31 = arith.constant 0 : i32
        %dma_start3A_32 = tpu.memref_slice %arg5[%dma_start3A_30, %dma_start3A_31] : memref<10112x128xf32, #tpu.memory_space<vmem_shared>> -> memref<10112x128xf32, #tpu.memory_space<vmem_shared>>
        tpu.enqueue_indirect_dma source(%arg8 : memref<128x128xf32, #tpu.memory_space<vmem>>) target(%dma_start3A_32 : memref<10112x128xf32, #tpu.memory_space<vmem_shared>>) offsets(%dma_start3A_29 : memref<128xi32, #tpu.memory_space<vmem>>) semaphore(%run_scoped3A_27 : memref<!tpu.dma_semaphore, #tpu.memory_space<semaphore_mem>>) {add = true}
        %dma_wait3A = arith.constant 0 : i32
        %dma_wait3A_33 = tpu.memref_slice %arg7[%scan3A_26, %dma_wait3A] : memref<79x128xi32, #tpu.memory_space<vmem>> -> memref<1x128xi32, #tpu.memory_space<vmem>>
        %dma_wait3A_34 = tpu.memref_squeeze %dma_wait3A_33 : memref<1x128xi32, #tpu.memory_space<vmem>> -> memref<128xi32, #tpu.memory_space<vmem>>
        %dma_wait3A_35 = arith.constant 0 : i32
        %dma_wait3A_36 = arith.constant 0 : i32
        %dma_wait3A_37 = tpu.memref_slice %arg5[%dma_wait3A_35, %dma_wait3A_36] : memref<10112x128xf32, #tpu.memory_space<vmem_shared>> -> memref<10112x128xf32, #tpu.memory_space<vmem_shared>>
        tpu.wait_indirect_dma semaphore(%run_scoped3A_27 : memref<!tpu.dma_semaphore, #tpu.memory_space<semaphore_mem>>) src(%arg8 : memref<128x128xf32, #tpu.memory_space<vmem>>) dst(%dma_wait3A_37 : memref<10112x128xf32, #tpu.memory_space<vmem_shared>>)
        tpu.yield
      }) : () -> ()
    }
    %scan3A_22 = arith.constant 79 : i32
    %barrier3A_23 = arith.constant 0 : index
    tpu.barrier barrier_id(%barrier3A_23)
    %mul3A_24 = arith.constant 632 : i32
    %mul3A_25 = arith.muli %arg1, %mul3A_24 : i32
    "tpu.region"() ({
      %run_scoped3A_26 = tpu.sem_alloc : memref<!tpu.dma_semaphore, #tpu.memory_space<semaphore_mem>>
      %dma_start3A = arith.constant 0 : i32
      %dma_start3A_27 = tpu.memref_slice %arg4[%arg0, %mul3A_25, %dma_start3A] : memref<2x10112x128xf32, #tpu.memory_space<hbm>> -> memref<1x632x128xf32, #tpu.memory_space<hbm>>
      %dma_start3A_28 = tpu.memref_squeeze %dma_start3A_27 : memref<1x632x128xf32, #tpu.memory_space<hbm>> -> memref<632x128xf32, #tpu.memory_space<hbm>>
      %dma_start3A_29 = arith.constant 0 : i32
      %dma_start3A_30 = tpu.memref_slice %arg5[%mul3A_25, %dma_start3A_29] : memref<10112x128xf32, #tpu.memory_space<vmem_shared>> -> memref<632x128xf32, #tpu.memory_space<vmem_shared>>
      tpu.enqueue_dma source(%dma_start3A_30 : memref<632x128xf32, #tpu.memory_space<vmem_shared>>) target(%dma_start3A_28 : memref<632x128xf32, #tpu.memory_space<hbm>>) target_semaphore(%run_scoped3A_26 : memref<!tpu.dma_semaphore, #tpu.memory_space<semaphore_mem>>)
      %dma_wait3A = arith.constant 0 : i32
      %dma_wait3A_31 = tpu.memref_slice %arg4[%arg0, %mul3A_25, %dma_wait3A] : memref<2x10112x128xf32, #tpu.memory_space<hbm>> -> memref<1x632x128xf32, #tpu.memory_space<hbm>>
      %dma_wait3A_32 = tpu.memref_squeeze %dma_wait3A_31 : memref<1x632x128xf32, #tpu.memory_space<hbm>> -> memref<632x128xf32, #tpu.memory_space<hbm>>
      %dma_wait3A_33 = arith.constant 0 : i32
      %dma_wait3A_34 = tpu.memref_slice %arg5[%mul3A_25, %dma_wait3A_33] : memref<10112x128xf32, #tpu.memory_space<vmem_shared>> -> memref<632x128xf32, #tpu.memory_space<vmem_shared>>
      tpu.wait_dma2 semaphore(%run_scoped3A_26 : memref<!tpu.dma_semaphore, #tpu.memory_space<semaphore_mem>>) src(%dma_wait3A_34 : memref<632x128xf32, #tpu.memory_space<vmem_shared>>) dst(%dma_wait3A_32 : memref<632x128xf32, #tpu.memory_space<hbm>>)
      tpu.yield
    }) : () -> ()
    return
  }
}

#map = affine_map<(d0, d1) -> (0, 0, 0, 0)>
#map1 = affine_map<(d0, d1) -> (0, 0)>
#map2 = affine_map<(d0, d1) -> (0, 0, 0)>
module attributes {stable_mosaic.version = 14 : i64} {
  func.func @_sc_body(%arg0: i32, %arg1: i32, %arg2: memref<2x32x79x128xi32, #tpu.memory_space<hbm>>, %arg3: memref<10000x128xf32, #tpu.memory_space<hbm>>, %arg4: memref<2x10112x128xf32, #tpu.memory_space<hbm>>, %arg5: memref<10112x128xf32, #tpu.memory_space<vmem_shared>>, %arg6: memref<79x128xi32, #tpu.memory_space<vmem>>, %arg7: memref<79x128xi32, #tpu.memory_space<vmem>>, %arg8: memref<128x128xf32, #tpu.memory_space<vmem>>, %arg9: memref<!tpu.dma_semaphore, #tpu.memory_space<semaphore_mem>>) attributes {dimension_semantics = [#tpu.dimension_semantics<core_parallel>, #tpu.dimension_semantics<subcore_parallel>], iteration_bounds = array<i64: 2, 16>, scalar_prefetch = 0 : i64, scratch_operands = 5 : i64, tpu.core_type = #tpu.core_type<sc_vector_subcore>, window_params = [{transform_indices = #map}, {transform_indices = #map1}, {transform_indices = #map2}]} {
    %mul3A = arith.constant 16 : i32
    %mul3A_0 = arith.muli %arg0, %mul3A : i32
    %add3A = arith.addi %mul3A_0, %arg1 : i32
    %run_scoped3A = arith.constant 0 : i32
    "tpu.region"() ({
      %run_scoped3A_26 = tpu.sem_alloc : memref<!tpu.dma_semaphore, #tpu.memory_space<semaphore_mem>>
      %dma_start3A = arith.constant 0 : i32
      %dma_start3A_27 = arith.constant 0 : i32
      %dma_start3A_28 = tpu.memref_slice %arg2[%run_scoped3A, %add3A, %dma_start3A, %dma_start3A_27] : memref<2x32x79x128xi32, #tpu.memory_space<hbm>> -> memref<1x1x79x128xi32, #tpu.memory_space<hbm>>
      %dma_start3A_29 = tpu.memref_squeeze %dma_start3A_28 : memref<1x1x79x128xi32, #tpu.memory_space<hbm>> -> memref<79x128xi32, #tpu.memory_space<hbm>>
      %dma_start3A_30 = arith.constant 0 : i32
      %dma_start3A_31 = arith.constant 0 : i32
      %dma_start3A_32 = tpu.memref_slice %arg2[%run_scoped3A, %add3A, %dma_start3A_30, %dma_start3A_31] : memref<2x32x79x128xi32, #tpu.memory_space<hbm>> -> memref<1x1x79x128xi32, #tpu.memory_space<hbm>>
      %dma_start3A_33 = tpu.memref_squeeze %dma_start3A_32 : memref<1x1x79x128xi32, #tpu.memory_space<hbm>> -> memref<79x128xi32, #tpu.memory_space<hbm>>
      tpu.enqueue_dma source(%dma_start3A_33 : memref<79x128xi32, #tpu.memory_space<hbm>>) target(%arg6 : memref<79x128xi32, #tpu.memory_space<vmem>>) target_semaphore(%run_scoped3A_26 : memref<!tpu.dma_semaphore, #tpu.memory_space<semaphore_mem>>)
      %dma_wait3A = arith.constant 0 : i32
      %dma_wait3A_34 = arith.constant 0 : i32
      %dma_wait3A_35 = tpu.memref_slice %arg2[%run_scoped3A, %add3A, %dma_wait3A, %dma_wait3A_34] : memref<2x32x79x128xi32, #tpu.memory_space<hbm>> -> memref<1x1x79x128xi32, #tpu.memory_space<hbm>>
      %dma_wait3A_36 = tpu.memref_squeeze %dma_wait3A_35 : memref<1x1x79x128xi32, #tpu.memory_space<hbm>> -> memref<79x128xi32, #tpu.memory_space<hbm>>
      %dma_wait3A_37 = arith.constant 0 : i32
      %dma_wait3A_38 = arith.constant 0 : i32
      %dma_wait3A_39 = tpu.memref_slice %arg2[%run_scoped3A, %add3A, %dma_wait3A_37, %dma_wait3A_38] : memref<2x32x79x128xi32, #tpu.memory_space<hbm>> -> memref<1x1x79x128xi32, #tpu.memory_space<hbm>>
      %dma_wait3A_40 = tpu.memref_squeeze %dma_wait3A_39 : memref<1x1x79x128xi32, #tpu.memory_space<hbm>> -> memref<79x128xi32, #tpu.memory_space<hbm>>
      tpu.wait_dma2 semaphore(%run_scoped3A_26 : memref<!tpu.dma_semaphore, #tpu.memory_space<semaphore_mem>>) src(%dma_wait3A_40 : memref<79x128xi32, #tpu.memory_space<hbm>>) dst(%arg6 : memref<79x128xi32, #tpu.memory_space<vmem>>)
      tpu.yield
    }) : () -> ()
    %run_scoped3A_1 = arith.constant 1 : i32
    "tpu.region"() ({
      %run_scoped3A_26 = tpu.sem_alloc : memref<!tpu.dma_semaphore, #tpu.memory_space<semaphore_mem>>
      %dma_start3A = arith.constant 0 : i32
      %dma_start3A_27 = arith.constant 0 : i32
      %dma_start3A_28 = tpu.memref_slice %arg2[%run_scoped3A_1, %add3A, %dma_start3A, %dma_start3A_27] : memref<2x32x79x128xi32, #tpu.memory_space<hbm>> -> memref<1x1x79x128xi32, #tpu.memory_space<hbm>>
      %dma_start3A_29 = tpu.memref_squeeze %dma_start3A_28 : memref<1x1x79x128xi32, #tpu.memory_space<hbm>> -> memref<79x128xi32, #tpu.memory_space<hbm>>
      %dma_start3A_30 = arith.constant 0 : i32
      %dma_start3A_31 = arith.constant 0 : i32
      %dma_start3A_32 = tpu.memref_slice %arg2[%run_scoped3A_1, %add3A, %dma_start3A_30, %dma_start3A_31] : memref<2x32x79x128xi32, #tpu.memory_space<hbm>> -> memref<1x1x79x128xi32, #tpu.memory_space<hbm>>
      %dma_start3A_33 = tpu.memref_squeeze %dma_start3A_32 : memref<1x1x79x128xi32, #tpu.memory_space<hbm>> -> memref<79x128xi32, #tpu.memory_space<hbm>>
      tpu.enqueue_dma source(%dma_start3A_33 : memref<79x128xi32, #tpu.memory_space<hbm>>) target(%arg7 : memref<79x128xi32, #tpu.memory_space<vmem>>) target_semaphore(%run_scoped3A_26 : memref<!tpu.dma_semaphore, #tpu.memory_space<semaphore_mem>>)
      %dma_wait3A = arith.constant 0 : i32
      %dma_wait3A_34 = arith.constant 0 : i32
      %dma_wait3A_35 = tpu.memref_slice %arg2[%run_scoped3A_1, %add3A, %dma_wait3A, %dma_wait3A_34] : memref<2x32x79x128xi32, #tpu.memory_space<hbm>> -> memref<1x1x79x128xi32, #tpu.memory_space<hbm>>
      %dma_wait3A_36 = tpu.memref_squeeze %dma_wait3A_35 : memref<1x1x79x128xi32, #tpu.memory_space<hbm>> -> memref<79x128xi32, #tpu.memory_space<hbm>>
      %dma_wait3A_37 = arith.constant 0 : i32
      %dma_wait3A_38 = arith.constant 0 : i32
      %dma_wait3A_39 = tpu.memref_slice %arg2[%run_scoped3A_1, %add3A, %dma_wait3A_37, %dma_wait3A_38] : memref<2x32x79x128xi32, #tpu.memory_space<hbm>> -> memref<1x1x79x128xi32, #tpu.memory_space<hbm>>
      %dma_wait3A_40 = tpu.memref_squeeze %dma_wait3A_39 : memref<1x1x79x128xi32, #tpu.memory_space<hbm>> -> memref<79x128xi32, #tpu.memory_space<hbm>>
      tpu.wait_dma2 semaphore(%run_scoped3A_26 : memref<!tpu.dma_semaphore, #tpu.memory_space<semaphore_mem>>) src(%dma_wait3A_40 : memref<79x128xi32, #tpu.memory_space<hbm>>) dst(%arg7 : memref<79x128xi32, #tpu.memory_space<vmem>>)
      tpu.yield
    }) : () -> ()
    %scan3A = arith.constant 0 : i32
    %scan3A_2 = arith.constant 0 : i32
    %scan3A_3 = arith.constant 128 : i32
    %scan3A_4 = arith.addi %scan3A_2, %scan3A_3 : i32
    %scan3A_5 = arith.constant 1 : i32
    scf.for %scan3A_26 = %scan3A_2 to %scan3A_4 step %scan3A_5  : i32 {
      %broadcast_in_dim3A = arith.constant 0.000000e+00 : f32
      %broadcast_in_dim3A_27 = vector.broadcast %broadcast_in_dim3A : f32 to vector<16xf32>
      %swap3A = arith.index_cast %scan3A_26 : i32 to index
      %swap3A_28 = arith.constant 0 : index
      %swap3A_29 = tpu.vector_load %arg8[%swap3A, %swap3A_28] {strides = array<i32>} : memref<128x128xf32, #tpu.memory_space<vmem>>, vector<1x16xf32>,
      %swap3A_30 = vector.shape_cast %swap3A_29 : vector<1x16xf32> to vector<16xf32>
      %swap3A_31 = vector.shape_cast %broadcast_in_dim3A_27 : vector<16xf32> to vector<1x16xf32>
      tpu.vector_store %arg8[%swap3A, %swap3A_28], %swap3A_31 {strides = array<i32>} : memref<128x128xf32, #tpu.memory_space<vmem>>, vector<1x16xf32>,
      %broadcast_in_dim3A_32 = arith.constant 0.000000e+00 : f32
      %broadcast_in_dim3A_33 = vector.broadcast %broadcast_in_dim3A_32 : f32 to vector<16xf32>
      %swap3A_34 = arith.index_cast %scan3A_26 : i32 to index
      %swap3A_35 = arith.constant 16 : index
      %swap3A_36 = tpu.vector_load %arg8[%swap3A_34, %swap3A_35] {strides = array<i32>} : memref<128x128xf32, #tpu.memory_space<vmem>>, vector<1x16xf32>,
      %swap3A_37 = vector.shape_cast %swap3A_36 : vector<1x16xf32> to vector<16xf32>
      %swap3A_38 = vector.shape_cast %broadcast_in_dim3A_33 : vector<16xf32> to vector<1x16xf32>
      tpu.vector_store %arg8[%swap3A_34, %swap3A_35], %swap3A_38 {strides = array<i32>} : memref<128x128xf32, #tpu.memory_space<vmem>>, vector<1x16xf32>,
      %broadcast_in_dim3A_39 = arith.constant 0.000000e+00 : f32
      %broadcast_in_dim3A_40 = vector.broadcast %broadcast_in_dim3A_39 : f32 to vector<16xf32>
      %swap3A_41 = arith.index_cast %scan3A_26 : i32 to index
      %swap3A_42 = arith.constant 32 : index
      %swap3A_43 = tpu.vector_load %arg8[%swap3A_41, %swap3A_42] {strides = array<i32>} : memref<128x128xf32, #tpu.memory_space<vmem>>, vector<1x16xf32>,
      %swap3A_44 = vector.shape_cast %swap3A_43 : vector<1x16xf32> to vector<16xf32>
      %swap3A_45 = vector.shape_cast %broadcast_in_dim3A_40 : vector<16xf32> to vector<1x16xf32>
      tpu.vector_store %arg8[%swap3A_41, %swap3A_42], %swap3A_45 {strides = array<i32>} : memref<128x128xf32, #tpu.memory_space<vmem>>, vector<1x16xf32>,
      %broadcast_in_dim3A_46 = arith.constant 0.000000e+00 : f32
      %broadcast_in_dim3A_47 = vector.broadcast %broadcast_in_dim3A_46 : f32 to vector<16xf32>
      %swap3A_48 = arith.index_cast %scan3A_26 : i32 to index
      %swap3A_49 = arith.constant 48 : index
      %swap3A_50 = tpu.vector_load %arg8[%swap3A_48, %swap3A_49] {strides = array<i32>} : memref<128x128xf32, #tpu.memory_space<vmem>>, vector<1x16xf32>,
      %swap3A_51 = vector.shape_cast %swap3A_50 : vector<1x16xf32> to vector<16xf32>
      %swap3A_52 = vector.shape_cast %broadcast_in_dim3A_47 : vector<16xf32> to vector<1x16xf32>
      tpu.vector_store %arg8[%swap3A_48, %swap3A_49], %swap3A_52 {strides = array<i32>} : memref<128x128xf32, #tpu.memory_space<vmem>>, vector<1x16xf32>,
      %broadcast_in_dim3A_53 = arith.constant 0.000000e+00 : f32
      %broadcast_in_dim3A_54 = vector.broadcast %broadcast_in_dim3A_53 : f32 to vector<16xf32>
      %swap3A_55 = arith.index_cast %scan3A_26 : i32 to index
      %swap3A_56 = arith.constant 64 : index
      %swap3A_57 = tpu.vector_load %arg8[%swap3A_55, %swap3A_56] {strides = array<i32>} : memref<128x128xf32, #tpu.memory_space<vmem>>, vector<1x16xf32>,
      %swap3A_58 = vector.shape_cast %swap3A_57 : vector<1x16xf32> to vector<16xf32>
      %swap3A_59 = vector.shape_cast %broadcast_in_dim3A_54 : vector<16xf32> to vector<1x16xf32>
      tpu.vector_store %arg8[%swap3A_55, %swap3A_56], %swap3A_59 {strides = array<i32>} : memref<128x128xf32, #tpu.memory_space<vmem>>, vector<1x16xf32>,
      %broadcast_in_dim3A_60 = arith.constant 0.000000e+00 : f32
      %broadcast_in_dim3A_61 = vector.broadcast %broadcast_in_dim3A_60 : f32 to vector<16xf32>
      %swap3A_62 = arith.index_cast %scan3A_26 : i32 to index
      %swap3A_63 = arith.constant 80 : index
      %swap3A_64 = tpu.vector_load %arg8[%swap3A_62, %swap3A_63] {strides = array<i32>} : memref<128x128xf32, #tpu.memory_space<vmem>>, vector<1x16xf32>,
      %swap3A_65 = vector.shape_cast %swap3A_64 : vector<1x16xf32> to vector<16xf32>
      %swap3A_66 = vector.shape_cast %broadcast_in_dim3A_61 : vector<16xf32> to vector<1x16xf32>
      tpu.vector_store %arg8[%swap3A_62, %swap3A_63], %swap3A_66 {strides = array<i32>} : memref<128x128xf32, #tpu.memory_space<vmem>>, vector<1x16xf32>,
      %broadcast_in_dim3A_67 = arith.constant 0.000000e+00 : f32
      %broadcast_in_dim3A_68 = vector.broadcast %broadcast_in_dim3A_67 : f32 to vector<16xf32>
      %swap3A_69 = arith.index_cast %scan3A_26 : i32 to index
      %swap3A_70 = arith.constant 96 : index
      %swap3A_71 = tpu.vector_load %arg8[%swap3A_69, %swap3A_70] {strides = array<i32>} : memref<128x128xf32, #tpu.memory_space<vmem>>, vector<1x16xf32>,
      %swap3A_72 = vector.shape_cast %swap3A_71 : vector<1x16xf32> to vector<16xf32>
      %swap3A_73 = vector.shape_cast %broadcast_in_dim3A_68 : vector<16xf32> to vector<1x16xf32>
      tpu.vector_store %arg8[%swap3A_69, %swap3A_70], %swap3A_73 {strides = array<i32>} : memref<128x128xf32, #tpu.memory_space<vmem>>, vector<1x16xf32>,
      %broadcast_in_dim3A_74 = arith.constant 0.000000e+00 : f32
      %broadcast_in_dim3A_75 = vector.broadcast %broadcast_in_dim3A_74 : f32 to vector<16xf32>
      %swap3A_76 = arith.index_cast %scan3A_26 : i32 to index
      %swap3A_77 = arith.constant 112 : index
      %swap3A_78 = tpu.vector_load %arg8[%swap3A_76, %swap3A_77] {strides = array<i32>} : memref<128x128xf32, #tpu.memory_space<vmem>>, vector<1x16xf32>,
      %swap3A_79 = vector.shape_cast %swap3A_78 : vector<1x16xf32> to vector<16xf32>
      %swap3A_80 = vector.shape_cast %broadcast_in_dim3A_75 : vector<16xf32> to vector<1x16xf32>
      tpu.vector_store %arg8[%swap3A_76, %swap3A_77], %swap3A_80 {strides = array<i32>} : memref<128x128xf32, #tpu.memory_space<vmem>>, vector<1x16xf32>,
    }
    %scan3A_6 = arith.constant 128 : i32
    %mul3A_7 = arith.constant 632 : i32
    %mul3A_8 = arith.muli %arg1, %mul3A_7 : i32
    "tpu.region"() ({
      %run_scoped3A_26 = tpu.sem_alloc : memref<!tpu.dma_semaphore, #tpu.memory_space<semaphore_mem>>
      %dma_start3A = arith.constant 0 : i32
      %dma_start3A_27 = tpu.memref_slice %arg5[%mul3A_8, %dma_start3A] : memref<10112x128xf32, #tpu.memory_space<vmem_shared>> -> memref<128x128xf32, #tpu.memory_space<vmem_shared>>
      %dma_start3A_28 = arith.constant 0 : i32
      %dma_start3A_29 = tpu.memref_slice %arg5[%mul3A_8, %dma_start3A_28] : memref<10112x128xf32, #tpu.memory_space<vmem_shared>> -> memref<128x128xf32, #tpu.memory_space<vmem_shared>>
      tpu.enqueue_dma source(%arg8 : memref<128x128xf32, #tpu.memory_space<vmem>>) target(%dma_start3A_29 : memref<128x128xf32, #tpu.memory_space<vmem_shared>>) target_semaphore(%run_scoped3A_26 : memref<!tpu.dma_semaphore, #tpu.memory_space<semaphore_mem>>)
      %dma_wait3A = arith.constant 0 : i32
      %dma_wait3A_30 = tpu.memref_slice %arg5[%mul3A_8, %dma_wait3A] : memref<10112x128xf32, #tpu.memory_space<vmem_shared>> -> memref<128x128xf32, #tpu.memory_space<vmem_shared>>
      %dma_wait3A_31 = arith.constant 0 : i32
      %dma_wait3A_32 = tpu.memref_slice %arg5[%mul3A_8, %dma_wait3A_31] : memref<10112x128xf32, #tpu.memory_space<vmem_shared>> -> memref<128x128xf32, #tpu.memory_space<vmem_shared>>
      tpu.wait_dma2 semaphore(%run_scoped3A_26 : memref<!tpu.dma_semaphore, #tpu.memory_space<semaphore_mem>>) src(%arg8 : memref<128x128xf32, #tpu.memory_space<vmem>>) dst(%dma_wait3A_32 : memref<128x128xf32, #tpu.memory_space<vmem_shared>>)
      tpu.yield
    }) : () -> ()
    %add3A_9 = arith.constant 128 : i32
    %add3A_10 = arith.addi %mul3A_8, %add3A_9 : i32
    "tpu.region"() ({
      %run_scoped3A_26 = tpu.sem_alloc : memref<!tpu.dma_semaphore, #tpu.memory_space<semaphore_mem>>
      %dma_start3A = arith.constant 0 : i32
      %dma_start3A_27 = tpu.memref_slice %arg5[%add3A_10, %dma_start3A] : memref<10112x128xf32, #tpu.memory_space<vmem_shared>> -> memref<128x128xf32, #tpu.memory_space<vmem_shared>>
      %dma_start3A_28 = arith.constant 0 : i32
      %dma_start3A_29 = tpu.memref_slice %arg5[%add3A_10, %dma_start3A_28] : memref<10112x128xf32, #tpu.memory_space<vmem_shared>> -> memref<128x128xf32, #tpu.memory_space<vmem_shared>>
      tpu.enqueue_dma source(%arg8 : memref<128x128xf32, #tpu.memory_space<vmem>>) target(%dma_start3A_29 : memref<128x128xf32, #tpu.memory_space<vmem_shared>>) target_semaphore(%run_scoped3A_26 : memref<!tpu.dma_semaphore, #tpu.memory_space<semaphore_mem>>)
      %dma_wait3A = arith.constant 0 : i32
      %dma_wait3A_30 = tpu.memref_slice %arg5[%add3A_10, %dma_wait3A] : memref<10112x128xf32, #tpu.memory_space<vmem_shared>> -> memref<128x128xf32, #tpu.memory_space<vmem_shared>>
      %dma_wait3A_31 = arith.constant 0 : i32
      %dma_wait3A_32 = tpu.memref_slice %arg5[%add3A_10, %dma_wait3A_31] : memref<10112x128xf32, #tpu.memory_space<vmem_shared>> -> memref<128x128xf32, #tpu.memory_space<vmem_shared>>
      tpu.wait_dma2 semaphore(%run_scoped3A_26 : memref<!tpu.dma_semaphore, #tpu.memory_space<semaphore_mem>>) src(%arg8 : memref<128x128xf32, #tpu.memory_space<vmem>>) dst(%dma_wait3A_32 : memref<128x128xf32, #tpu.memory_space<vmem_shared>>)
      tpu.yield
    }) : () -> ()
    %add3A_11 = arith.constant 256 : i32
    %add3A_12 = arith.addi %mul3A_8, %add3A_11 : i32
    "tpu.region"() ({
      %run_scoped3A_26 = tpu.sem_alloc : memref<!tpu.dma_semaphore, #tpu.memory_space<semaphore_mem>>
      %dma_start3A = arith.constant 0 : i32
      %dma_start3A_27 = tpu.memref_slice %arg5[%add3A_12, %dma_start3A] : memref<10112x128xf32, #tpu.memory_space<vmem_shared>> -> memref<128x128xf32, #tpu.memory_space<vmem_shared>>
      %dma_start3A_28 = arith.constant 0 : i32
      %dma_start3A_29 = tpu.memref_slice %arg5[%add3A_12, %dma_start3A_28] : memref<10112x128xf32, #tpu.memory_space<vmem_shared>> -> memref<128x128xf32, #tpu.memory_space<vmem_shared>>
      tpu.enqueue_dma source(%arg8 : memref<128x128xf32, #tpu.memory_space<vmem>>) target(%dma_start3A_29 : memref<128x128xf32, #tpu.memory_space<vmem_shared>>) target_semaphore(%run_scoped3A_26 : memref<!tpu.dma_semaphore, #tpu.memory_space<semaphore_mem>>)
      %dma_wait3A = arith.constant 0 : i32
      %dma_wait3A_30 = tpu.memref_slice %arg5[%add3A_12, %dma_wait3A] : memref<10112x128xf32, #tpu.memory_space<vmem_shared>> -> memref<128x128xf32, #tpu.memory_space<vmem_shared>>
      %dma_wait3A_31 = arith.constant 0 : i32
      %dma_wait3A_32 = tpu.memref_slice %arg5[%add3A_12, %dma_wait3A_31] : memref<10112x128xf32, #tpu.memory_space<vmem_shared>> -> memref<128x128xf32, #tpu.memory_space<vmem_shared>>
      tpu.wait_dma2 semaphore(%run_scoped3A_26 : memref<!tpu.dma_semaphore, #tpu.memory_space<semaphore_mem>>) src(%arg8 : memref<128x128xf32, #tpu.memory_space<vmem>>) dst(%dma_wait3A_32 : memref<128x128xf32, #tpu.memory_space<vmem_shared>>)
      tpu.yield
    }) : () -> ()
    %add3A_13 = arith.constant 384 : i32
    %add3A_14 = arith.addi %mul3A_8, %add3A_13 : i32
    "tpu.region"() ({
      %run_scoped3A_26 = tpu.sem_alloc : memref<!tpu.dma_semaphore, #tpu.memory_space<semaphore_mem>>
      %dma_start3A = arith.constant 0 : i32
      %dma_start3A_27 = tpu.memref_slice %arg5[%add3A_14, %dma_start3A] : memref<10112x128xf32, #tpu.memory_space<vmem_shared>> -> memref<128x128xf32, #tpu.memory_space<vmem_shared>>
      %dma_start3A_28 = arith.constant 0 : i32
      %dma_start3A_29 = tpu.memref_slice %arg5[%add3A_14, %dma_start3A_28] : memref<10112x128xf32, #tpu.memory_space<vmem_shared>> -> memref<128x128xf32, #tpu.memory_space<vmem_shared>>
      tpu.enqueue_dma source(%arg8 : memref<128x128xf32, #tpu.memory_space<vmem>>) target(%dma_start3A_29 : memref<128x128xf32, #tpu.memory_space<vmem_shared>>) target_semaphore(%run_scoped3A_26 : memref<!tpu.dma_semaphore, #tpu.memory_space<semaphore_mem>>)
      %dma_wait3A = arith.constant 0 : i32
      %dma_wait3A_30 = tpu.memref_slice %arg5[%add3A_14, %dma_wait3A] : memref<10112x128xf32, #tpu.memory_space<vmem_shared>> -> memref<128x128xf32, #tpu.memory_space<vmem_shared>>
      %dma_wait3A_31 = arith.constant 0 : i32
      %dma_wait3A_32 = tpu.memref_slice %arg5[%add3A_14, %dma_wait3A_31] : memref<10112x128xf32, #tpu.memory_space<vmem_shared>> -> memref<128x128xf32, #tpu.memory_space<vmem_shared>>
      tpu.wait_dma2 semaphore(%run_scoped3A_26 : memref<!tpu.dma_semaphore, #tpu.memory_space<semaphore_mem>>) src(%arg8 : memref<128x128xf32, #tpu.memory_space<vmem>>) dst(%dma_wait3A_32 : memref<128x128xf32, #tpu.memory_space<vmem_shared>>)
      tpu.yield
    }) : () -> ()
    %add3A_15 = arith.constant 512 : i32
    %add3A_16 = arith.addi %mul3A_8, %add3A_15 : i32
    "tpu.region"() ({
      %run_scoped3A_26 = tpu.sem_alloc : memref<!tpu.dma_semaphore, #tpu.memory_space<semaphore_mem>>
      %dma_start3A = arith.constant 0 : i32
      %dma_start3A_27 = arith.constant 0 : i32
      %dma_start3A_28 = tpu.memref_slice %arg8[%dma_start3A, %dma_start3A_27] : memref<128x128xf32, #tpu.memory_space<vmem>> -> memref<120x128xf32, #tpu.memory_space<vmem>>
      %dma_start3A_29 = arith.constant 0 : i32
      %dma_start3A_30 = tpu.memref_slice %arg5[%add3A_16, %dma_start3A_29] : memref<10112x128xf32, #tpu.memory_space<vmem_shared>> -> memref<120x128xf32, #tpu.memory_space<vmem_shared>>
      %dma_start3A_31 = arith.constant 0 : i32
      %dma_start3A_32 = tpu.memref_slice %arg5[%add3A_16, %dma_start3A_31] : memref<10112x128xf32, #tpu.memory_space<vmem_shared>> -> memref<120x128xf32, #tpu.memory_space<vmem_shared>>
      %dma_start3A_33 = arith.constant 0 : i32
      %dma_start3A_34 = arith.constant 0 : i32
      %dma_start3A_35 = tpu.memref_slice %arg8[%dma_start3A_33, %dma_start3A_34] : memref<128x128xf32, #tpu.memory_space<vmem>> -> memref<120x128xf32, #tpu.memory_space<vmem>>
      tpu.enqueue_dma source(%dma_start3A_35 : memref<120x128xf32, #tpu.memory_space<vmem>>) target(%dma_start3A_32 : memref<120x128xf32, #tpu.memory_space<vmem_shared>>) target_semaphore(%run_scoped3A_26 : memref<!tpu.dma_semaphore, #tpu.memory_space<semaphore_mem>>)
      %dma_wait3A = arith.constant 0 : i32
      %dma_wait3A_36 = arith.constant 0 : i32
      %dma_wait3A_37 = tpu.memref_slice %arg8[%dma_wait3A, %dma_wait3A_36] : memref<128x128xf32, #tpu.memory_space<vmem>> -> memref<120x128xf32, #tpu.memory_space<vmem>>
      %dma_wait3A_38 = arith.constant 0 : i32
      %dma_wait3A_39 = tpu.memref_slice %arg5[%add3A_16, %dma_wait3A_38] : memref<10112x128xf32, #tpu.memory_space<vmem_shared>> -> memref<120x128xf32, #tpu.memory_space<vmem_shared>>
      %dma_wait3A_40 = arith.constant 0 : i32
      %dma_wait3A_41 = tpu.memref_slice %arg5[%add3A_16, %dma_wait3A_40] : memref<10112x128xf32, #tpu.memory_space<vmem_shared>> -> memref<120x128xf32, #tpu.memory_space<vmem_shared>>
      %dma_wait3A_42 = arith.constant 0 : i32
      %dma_wait3A_43 = arith.constant 0 : i32
      %dma_wait3A_44 = tpu.memref_slice %arg8[%dma_wait3A_42, %dma_wait3A_43] : memref<128x128xf32, #tpu.memory_space<vmem>> -> memref<120x128xf32, #tpu.memory_space<vmem>>
      tpu.wait_dma2 semaphore(%run_scoped3A_26 : memref<!tpu.dma_semaphore, #tpu.memory_space<semaphore_mem>>) src(%dma_wait3A_44 : memref<120x128xf32, #tpu.memory_space<vmem>>) dst(%dma_wait3A_41 : memref<120x128xf32, #tpu.memory_space<vmem_shared>>)
      tpu.yield
    }) : () -> ()
    %barrier3A = arith.constant 0 : index
    tpu.barrier barrier_id(%barrier3A)
    %scan3A_17 = arith.constant 0 : i32
    %scan3A_18 = arith.constant 0 : i32
    %scan3A_19 = arith.constant 79 : i32
    %scan3A_20 = arith.addi %scan3A_18, %scan3A_19 : i32
    %scan3A_21 = arith.constant 1 : i32
    scf.for %scan3A_26 = %scan3A_18 to %scan3A_20 step %scan3A_21  : i32 {
      "tpu.region"() ({
        %run_scoped3A_27 = tpu.sem_alloc : memref<!tpu.dma_semaphore, #tpu.memory_space<semaphore_mem>>
        %dma_start3A = arith.constant 0 : i32
        %dma_start3A_28 = tpu.memref_slice %arg6[%scan3A_26, %dma_start3A] : memref<79x128xi32, #tpu.memory_space<vmem>> -> memref<1x128xi32, #tpu.memory_space<vmem>>
        %dma_start3A_29 = tpu.memref_squeeze %dma_start3A_28 : memref<1x128xi32, #tpu.memory_space<vmem>> -> memref<128xi32, #tpu.memory_space<vmem>>
        %dma_start3A_30 = arith.constant 0 : i32
        %dma_start3A_31 = arith.constant 0 : i32
        %dma_start3A_32 = tpu.memref_slice %arg3[%dma_start3A_30, %dma_start3A_31] : memref<10000x128xf32, #tpu.memory_space<hbm>> -> memref<10000x128xf32, #tpu.memory_space<hbm>>
        tpu.enqueue_indirect_dma source(%dma_start3A_32 : memref<10000x128xf32, #tpu.memory_space<hbm>>) target(%arg8 : memref<128x128xf32, #tpu.memory_space<vmem>>) offsets(%dma_start3A_29 : memref<128xi32, #tpu.memory_space<vmem>>) semaphore(%run_scoped3A_27 : memref<!tpu.dma_semaphore, #tpu.memory_space<semaphore_mem>>)
        %dma_wait3A = arith.constant 0 : i32
        %dma_wait3A_33 = tpu.memref_slice %arg6[%scan3A_26, %dma_wait3A] : memref<79x128xi32, #tpu.memory_space<vmem>> -> memref<1x128xi32, #tpu.memory_space<vmem>>
        %dma_wait3A_34 = tpu.memref_squeeze %dma_wait3A_33 : memref<1x128xi32, #tpu.memory_space<vmem>> -> memref<128xi32, #tpu.memory_space<vmem>>
        %dma_wait3A_35 = arith.constant 0 : i32
        %dma_wait3A_36 = arith.constant 0 : i32
        %dma_wait3A_37 = tpu.memref_slice %arg3[%dma_wait3A_35, %dma_wait3A_36] : memref<10000x128xf32, #tpu.memory_space<hbm>> -> memref<10000x128xf32, #tpu.memory_space<hbm>>
        tpu.wait_indirect_dma semaphore(%run_scoped3A_27 : memref<!tpu.dma_semaphore, #tpu.memory_space<semaphore_mem>>) src(%dma_wait3A_37 : memref<10000x128xf32, #tpu.memory_space<hbm>>) dst(%arg8 : memref<128x128xf32, #tpu.memory_space<vmem>>)
        tpu.yield
      }) : () -> ()
      "tpu.region"() ({
        %run_scoped3A_27 = tpu.sem_alloc : memref<!tpu.dma_semaphore, #tpu.memory_space<semaphore_mem>>
        %dma_start3A = arith.constant 0 : i32
        %dma_start3A_28 = tpu.memref_slice %arg7[%scan3A_26, %dma_start3A] : memref<79x128xi32, #tpu.memory_space<vmem>> -> memref<1x128xi32, #tpu.memory_space<vmem>>
        %dma_start3A_29 = tpu.memref_squeeze %dma_start3A_28 : memref<1x128xi32, #tpu.memory_space<vmem>> -> memref<128xi32, #tpu.memory_space<vmem>>
        %dma_start3A_30 = arith.constant 0 : i32
        %dma_start3A_31 = arith.constant 0 : i32
        %dma_start3A_32 = tpu.memref_slice %arg5[%dma_start3A_30, %dma_start3A_31] : memref<10112x128xf32, #tpu.memory_space<vmem_shared>> -> memref<10112x128xf32, #tpu.memory_space<vmem_shared>>
        tpu.enqueue_indirect_dma source(%arg8 : memref<128x128xf32, #tpu.memory_space<vmem>>) target(%dma_start3A_32 : memref<10112x128xf32, #tpu.memory_space<vmem_shared>>) offsets(%dma_start3A_29 : memref<128xi32, #tpu.memory_space<vmem>>) semaphore(%run_scoped3A_27 : memref<!tpu.dma_semaphore, #tpu.memory_space<semaphore_mem>>) {add = true}
        %dma_wait3A = arith.constant 0 : i32
        %dma_wait3A_33 = tpu.memref_slice %arg7[%scan3A_26, %dma_wait3A] : memref<79x128xi32, #tpu.memory_space<vmem>> -> memref<1x128xi32, #tpu.memory_space<vmem>>
        %dma_wait3A_34 = tpu.memref_squeeze %dma_wait3A_33 : memref<1x128xi32, #tpu.memory_space<vmem>> -> memref<128xi32, #tpu.memory_space<vmem>>
        %dma_wait3A_35 = arith.constant 0 : i32
        %dma_wait3A_36 = arith.constant 0 : i32
        %dma_wait3A_37 = tpu.memref_slice %arg5[%dma_wait3A_35, %dma_wait3A_36] : memref<10112x128xf32, #tpu.memory_space<vmem_shared>> -> memref<10112x128xf32, #tpu.memory_space<vmem_shared>>
        tpu.wait_indirect_dma semaphore(%run_scoped3A_27 : memref<!tpu.dma_semaphore, #tpu.memory_space<semaphore_mem>>) src(%arg8 : memref<128x128xf32, #tpu.memory_space<vmem>>) dst(%dma_wait3A_37 : memref<10112x128xf32, #tpu.memory_space<vmem_shared>>)
        tpu.yield
      }) : () -> ()
    }
    %scan3A_22 = arith.constant 79 : i32
    %barrier3A_23 = arith.constant 0 : index
    tpu.barrier barrier_id(%barrier3A_23)
    %mul3A_24 = arith.constant 632 : i32
    %mul3A_25 = arith.muli %arg1, %mul3A_24 : i32
    "tpu.region"() ({
      %run_scoped3A_26 = tpu.sem_alloc : memref<!tpu.dma_semaphore, #tpu.memory_space<semaphore_mem>>
      %dma_start3A = arith.constant 0 : i32
      %dma_start3A_27 = tpu.memref_slice %arg4[%arg0, %mul3A_25, %dma_start3A] : memref<2x10112x128xf32, #tpu.memory_space<hbm>> -> memref<1x632x128xf32, #tpu.memory_space<hbm>>
      %dma_start3A_28 = tpu.memref_squeeze %dma_start3A_27 : memref<1x632x128xf32, #tpu.memory_space<hbm>> -> memref<632x128xf32, #tpu.memory_space<hbm>>
      %dma_start3A_29 = arith.constant 0 : i32
      %dma_start3A_30 = tpu.memref_slice %arg5[%mul3A_25, %dma_start3A_29] : memref<10112x128xf32, #tpu.memory_space<vmem_shared>> -> memref<632x128xf32, #tpu.memory_space<vmem_shared>>
      tpu.enqueue_dma source(%dma_start3A_30 : memref<632x128xf32, #tpu.memory_space<vmem_shared>>) target(%dma_start3A_28 : memref<632x128xf32, #tpu.memory_space<hbm>>) target_semaphore(%run_scoped3A_26 : memref<!tpu.dma_semaphore, #tpu.memory_space<semaphore_mem>>)
      %dma_wait3A = arith.constant 0 : i32
      %dma_wait3A_31 = tpu.memref_slice %arg4[%arg0, %mul3A_25, %dma_wait3A] : memref<2x10112x128xf32, #tpu.memory_space<hbm>> -> memref<1x632x128xf32, #tpu.memory_space<hbm>>
      %dma_wait3A_32 = tpu.memref_squeeze %dma_wait3A_31 : memref<1x632x128xf32, #tpu.memory_space<hbm>> -> memref<632x128xf32, #tpu.memory_space<hbm>>
      %dma_wait3A_33 = arith.constant 0 : i32
      %dma_wait3A_34 = tpu.memref_slice %arg5[%mul3A_25, %dma_wait3A_33] : memref<10112x128xf32, #tpu.memory_space<vmem_shared>> -> memref<632x128xf32, #tpu.memory_space<vmem_shared>>
      tpu.wait_dma2 semaphore(%run_scoped3A_26 : memref<!tpu.dma_semaphore, #tpu.memory_space<semaphore_mem>>) src(%dma_wait3A_34 : memref<632x128xf32, #tpu.memory_space<vmem_shared>>) dst(%dma_wait3A_32 : memref<632x128xf32, #tpu.memory_space<hbm>>)
      tpu.yield
    }) : () -> ()
    return
  }
}

#map = affine_map<(d0, d1) -> (0, 0, 0, 0)>
#map1 = affine_map<(d0, d1) -> (0, 0)>
#map2 = affine_map<(d0, d1) -> (0, 0, 0)>
module attributes {stable_mosaic.version = 14 : i64} {
  func.func @_sc_body(%arg0: i32, %arg1: i32, %arg2: memref<2x32x79x128xi32, #tpu.memory_space<hbm>>, %arg3: memref<10000x128xf32, #tpu.memory_space<hbm>>, %arg4: memref<2x10112x128xf32, #tpu.memory_space<hbm>>, %arg5: memref<10112x128xf32, #tpu.memory_space<vmem_shared>>, %arg6: memref<79x128xi32, #tpu.memory_space<vmem>>, %arg7: memref<79x128xi32, #tpu.memory_space<vmem>>, %arg8: memref<128x128xf32, #tpu.memory_space<vmem>>, %arg9: memref<!tpu.dma_semaphore, #tpu.memory_space<semaphore_mem>>) attributes {dimension_semantics = [#tpu.dimension_semantics<core_parallel>, #tpu.dimension_semantics<subcore_parallel>], iteration_bounds = array<i64: 2, 16>, scalar_prefetch = 0 : i64, scratch_operands = 5 : i64, tpu.core_type = #tpu.core_type<sc_vector_subcore>, window_params = [{transform_indices = #map}, {transform_indices = #map1}, {transform_indices = #map2}]} {
    %mul3A = arith.constant 16 : i32
    %mul3A_0 = arith.muli %arg0, %mul3A : i32
    %add3A = arith.addi %mul3A_0, %arg1 : i32
    %run_scoped3A = arith.constant 0 : i32
    "tpu.region"() ({
      %run_scoped3A_26 = tpu.sem_alloc : memref<!tpu.dma_semaphore, #tpu.memory_space<semaphore_mem>>
      %dma_start3A = arith.constant 0 : i32
      %dma_start3A_27 = arith.constant 0 : i32
      %dma_start3A_28 = tpu.memref_slice %arg2[%run_scoped3A, %add3A, %dma_start3A, %dma_start3A_27] : memref<2x32x79x128xi32, #tpu.memory_space<hbm>> -> memref<1x1x79x128xi32, #tpu.memory_space<hbm>>
      %dma_start3A_29 = tpu.memref_squeeze %dma_start3A_28 : memref<1x1x79x128xi32, #tpu.memory_space<hbm>> -> memref<79x128xi32, #tpu.memory_space<hbm>>
      %dma_start3A_30 = arith.constant 0 : i32
      %dma_start3A_31 = arith.constant 0 : i32
      %dma_start3A_32 = tpu.memref_slice %arg2[%run_scoped3A, %add3A, %dma_start3A_30, %dma_start3A_31] : memref<2x32x79x128xi32, #tpu.memory_space<hbm>> -> memref<1x1x79x128xi32, #tpu.memory_space<hbm>>
      %dma_start3A_33 = tpu.memref_squeeze %dma_start3A_32 : memref<1x1x79x128xi32, #tpu.memory_space<hbm>> -> memref<79x128xi32, #tpu.memory_space<hbm>>
      tpu.enqueue_dma source(%dma_start3A_33 : memref<79x128xi32, #tpu.memory_space<hbm>>) target(%arg6 : memref<79x128xi32, #tpu.memory_space<vmem>>) target_semaphore(%run_scoped3A_26 : memref<!tpu.dma_semaphore, #tpu.memory_space<semaphore_mem>>)
      %dma_wait3A = arith.constant 0 : i32
      %dma_wait3A_34 = arith.constant 0 : i32
      %dma_wait3A_35 = tpu.memref_slice %arg2[%run_scoped3A, %add3A, %dma_wait3A, %dma_wait3A_34] : memref<2x32x79x128xi32, #tpu.memory_space<hbm>> -> memref<1x1x79x128xi32, #tpu.memory_space<hbm>>
      %dma_wait3A_36 = tpu.memref_squeeze %dma_wait3A_35 : memref<1x1x79x128xi32, #tpu.memory_space<hbm>> -> memref<79x128xi32, #tpu.memory_space<hbm>>
      %dma_wait3A_37 = arith.constant 0 : i32
      %dma_wait3A_38 = arith.constant 0 : i32
      %dma_wait3A_39 = tpu.memref_slice %arg2[%run_scoped3A, %add3A, %dma_wait3A_37, %dma_wait3A_38] : memref<2x32x79x128xi32, #tpu.memory_space<hbm>> -> memref<1x1x79x128xi32, #tpu.memory_space<hbm>>
      %dma_wait3A_40 = tpu.memref_squeeze %dma_wait3A_39 : memref<1x1x79x128xi32, #tpu.memory_space<hbm>> -> memref<79x128xi32, #tpu.memory_space<hbm>>
      tpu.wait_dma2 semaphore(%run_scoped3A_26 : memref<!tpu.dma_semaphore, #tpu.memory_space<semaphore_mem>>) src(%dma_wait3A_40 : memref<79x128xi32, #tpu.memory_space<hbm>>) dst(%arg6 : memref<79x128xi32, #tpu.memory_space<vmem>>)
      tpu.yield
    }) : () -> ()
    %run_scoped3A_1 = arith.constant 1 : i32
    "tpu.region"() ({
      %run_scoped3A_26 = tpu.sem_alloc : memref<!tpu.dma_semaphore, #tpu.memory_space<semaphore_mem>>
      %dma_start3A = arith.constant 0 : i32
      %dma_start3A_27 = arith.constant 0 : i32
      %dma_start3A_28 = tpu.memref_slice %arg2[%run_scoped3A_1, %add3A, %dma_start3A, %dma_start3A_27] : memref<2x32x79x128xi32, #tpu.memory_space<hbm>> -> memref<1x1x79x128xi32, #tpu.memory_space<hbm>>
      %dma_start3A_29 = tpu.memref_squeeze %dma_start3A_28 : memref<1x1x79x128xi32, #tpu.memory_space<hbm>> -> memref<79x128xi32, #tpu.memory_space<hbm>>
      %dma_start3A_30 = arith.constant 0 : i32
      %dma_start3A_31 = arith.constant 0 : i32
      %dma_start3A_32 = tpu.memref_slice %arg2[%run_scoped3A_1, %add3A, %dma_start3A_30, %dma_start3A_31] : memref<2x32x79x128xi32, #tpu.memory_space<hbm>> -> memref<1x1x79x128xi32, #tpu.memory_space<hbm>>
      %dma_start3A_33 = tpu.memref_squeeze %dma_start3A_32 : memref<1x1x79x128xi32, #tpu.memory_space<hbm>> -> memref<79x128xi32, #tpu.memory_space<hbm>>
      tpu.enqueue_dma source(%dma_start3A_33 : memref<79x128xi32, #tpu.memory_space<hbm>>) target(%arg7 : memref<79x128xi32, #tpu.memory_space<vmem>>) target_semaphore(%run_scoped3A_26 : memref<!tpu.dma_semaphore, #tpu.memory_space<semaphore_mem>>)
      %dma_wait3A = arith.constant 0 : i32
      %dma_wait3A_34 = arith.constant 0 : i32
      %dma_wait3A_35 = tpu.memref_slice %arg2[%run_scoped3A_1, %add3A, %dma_wait3A, %dma_wait3A_34] : memref<2x32x79x128xi32, #tpu.memory_space<hbm>> -> memref<1x1x79x128xi32, #tpu.memory_space<hbm>>
      %dma_wait3A_36 = tpu.memref_squeeze %dma_wait3A_35 : memref<1x1x79x128xi32, #tpu.memory_space<hbm>> -> memref<79x128xi32, #tpu.memory_space<hbm>>
      %dma_wait3A_37 = arith.constant 0 : i32
      %dma_wait3A_38 = arith.constant 0 : i32
      %dma_wait3A_39 = tpu.memref_slice %arg2[%run_scoped3A_1, %add3A, %dma_wait3A_37, %dma_wait3A_38] : memref<2x32x79x128xi32, #tpu.memory_space<hbm>> -> memref<1x1x79x128xi32, #tpu.memory_space<hbm>>
      %dma_wait3A_40 = tpu.memref_squeeze %dma_wait3A_39 : memref<1x1x79x128xi32, #tpu.memory_space<hbm>> -> memref<79x128xi32, #tpu.memory_space<hbm>>
      tpu.wait_dma2 semaphore(%run_scoped3A_26 : memref<!tpu.dma_semaphore, #tpu.memory_space<semaphore_mem>>) src(%dma_wait3A_40 : memref<79x128xi32, #tpu.memory_space<hbm>>) dst(%arg7 : memref<79x128xi32, #tpu.memory_space<vmem>>)
      tpu.yield
    }) : () -> ()
    %scan3A = arith.constant 0 : i32
    %scan3A_2 = arith.constant 0 : i32
    %scan3A_3 = arith.constant 128 : i32
    %scan3A_4 = arith.addi %scan3A_2, %scan3A_3 : i32
    %scan3A_5 = arith.constant 1 : i32
    scf.for %scan3A_26 = %scan3A_2 to %scan3A_4 step %scan3A_5  : i32 {
      %broadcast_in_dim3A = arith.constant 0.000000e+00 : f32
      %broadcast_in_dim3A_27 = vector.broadcast %broadcast_in_dim3A : f32 to vector<16xf32>
      %swap3A = arith.index_cast %scan3A_26 : i32 to index
      %swap3A_28 = arith.constant 0 : index
      %swap3A_29 = tpu.vector_load %arg8[%swap3A, %swap3A_28] {strides = array<i32>} : memref<128x128xf32, #tpu.memory_space<vmem>>, vector<1x16xf32>,
      %swap3A_30 = vector.shape_cast %swap3A_29 : vector<1x16xf32> to vector<16xf32>
      %swap3A_31 = vector.shape_cast %broadcast_in_dim3A_27 : vector<16xf32> to vector<1x16xf32>
      tpu.vector_store %arg8[%swap3A, %swap3A_28], %swap3A_31 {strides = array<i32>} : memref<128x128xf32, #tpu.memory_space<vmem>>, vector<1x16xf32>,
      %broadcast_in_dim3A_32 = arith.constant 0.000000e+00 : f32
      %broadcast_in_dim3A_33 = vector.broadcast %broadcast_in_dim3A_32 : f32 to vector<16xf32>
      %swap3A_34 = arith.index_cast %scan3A_26 : i32 to index
      %swap3A_35 = arith.constant 16 : index
      %swap3A_36 = tpu.vector_load %arg8[%swap3A_34, %swap3A_35] {strides = array<i32>} : memref<128x128xf32, #tpu.memory_space<vmem>>, vector<1x16xf32>,
      %swap3A_37 = vector.shape_cast %swap3A_36 : vector<1x16xf32> to vector<16xf32>
      %swap3A_38 = vector.shape_cast %broadcast_in_dim3A_33 : vector<16xf32> to vector<1x16xf32>
      tpu.vector_store %arg8[%swap3A_34, %swap3A_35], %swap3A_38 {strides = array<i32>} : memref<128x128xf32, #tpu.memory_space<vmem>>, vector<1x16xf32>,
      %broadcast_in_dim3A_39 = arith.constant 0.000000e+00 : f32
      %broadcast_in_dim3A_40 = vector.broadcast %broadcast_in_dim3A_39 : f32 to vector<16xf32>
      %swap3A_41 = arith.index_cast %scan3A_26 : i32 to index
      %swap3A_42 = arith.constant 32 : index
      %swap3A_43 = tpu.vector_load %arg8[%swap3A_41, %swap3A_42] {strides = array<i32>} : memref<128x128xf32, #tpu.memory_space<vmem>>, vector<1x16xf32>,
      %swap3A_44 = vector.shape_cast %swap3A_43 : vector<1x16xf32> to vector<16xf32>
      %swap3A_45 = vector.shape_cast %broadcast_in_dim3A_40 : vector<16xf32> to vector<1x16xf32>
      tpu.vector_store %arg8[%swap3A_41, %swap3A_42], %swap3A_45 {strides = array<i32>} : memref<128x128xf32, #tpu.memory_space<vmem>>, vector<1x16xf32>,
      %broadcast_in_dim3A_46 = arith.constant 0.000000e+00 : f32
      %broadcast_in_dim3A_47 = vector.broadcast %broadcast_in_dim3A_46 : f32 to vector<16xf32>
      %swap3A_48 = arith.index_cast %scan3A_26 : i32 to index
      %swap3A_49 = arith.constant 48 : index
      %swap3A_50 = tpu.vector_load %arg8[%swap3A_48, %swap3A_49] {strides = array<i32>} : memref<128x128xf32, #tpu.memory_space<vmem>>, vector<1x16xf32>,
      %swap3A_51 = vector.shape_cast %swap3A_50 : vector<1x16xf32> to vector<16xf32>
      %swap3A_52 = vector.shape_cast %broadcast_in_dim3A_47 : vector<16xf32> to vector<1x16xf32>
      tpu.vector_store %arg8[%swap3A_48, %swap3A_49], %swap3A_52 {strides = array<i32>} : memref<128x128xf32, #tpu.memory_space<vmem>>, vector<1x16xf32>,
      %broadcast_in_dim3A_53 = arith.constant 0.000000e+00 : f32
      %broadcast_in_dim3A_54 = vector.broadcast %broadcast_in_dim3A_53 : f32 to vector<16xf32>
      %swap3A_55 = arith.index_cast %scan3A_26 : i32 to index
      %swap3A_56 = arith.constant 64 : index
      %swap3A_57 = tpu.vector_load %arg8[%swap3A_55, %swap3A_56] {strides = array<i32>} : memref<128x128xf32, #tpu.memory_space<vmem>>, vector<1x16xf32>,
      %swap3A_58 = vector.shape_cast %swap3A_57 : vector<1x16xf32> to vector<16xf32>
      %swap3A_59 = vector.shape_cast %broadcast_in_dim3A_54 : vector<16xf32> to vector<1x16xf32>
      tpu.vector_store %arg8[%swap3A_55, %swap3A_56], %swap3A_59 {strides = array<i32>} : memref<128x128xf32, #tpu.memory_space<vmem>>, vector<1x16xf32>,
      %broadcast_in_dim3A_60 = arith.constant 0.000000e+00 : f32
      %broadcast_in_dim3A_61 = vector.broadcast %broadcast_in_dim3A_60 : f32 to vector<16xf32>
      %swap3A_62 = arith.index_cast %scan3A_26 : i32 to index
      %swap3A_63 = arith.constant 80 : index
      %swap3A_64 = tpu.vector_load %arg8[%swap3A_62, %swap3A_63] {strides = array<i32>} : memref<128x128xf32, #tpu.memory_space<vmem>>, vector<1x16xf32>,
      %swap3A_65 = vector.shape_cast %swap3A_64 : vector<1x16xf32> to vector<16xf32>
      %swap3A_66 = vector.shape_cast %broadcast_in_dim3A_61 : vector<16xf32> to vector<1x16xf32>
      tpu.vector_store %arg8[%swap3A_62, %swap3A_63], %swap3A_66 {strides = array<i32>} : memref<128x128xf32, #tpu.memory_space<vmem>>, vector<1x16xf32>,
      %broadcast_in_dim3A_67 = arith.constant 0.000000e+00 : f32
      %broadcast_in_dim3A_68 = vector.broadcast %broadcast_in_dim3A_67 : f32 to vector<16xf32>
      %swap3A_69 = arith.index_cast %scan3A_26 : i32 to index
      %swap3A_70 = arith.constant 96 : index
      %swap3A_71 = tpu.vector_load %arg8[%swap3A_69, %swap3A_70] {strides = array<i32>} : memref<128x128xf32, #tpu.memory_space<vmem>>, vector<1x16xf32>,
      %swap3A_72 = vector.shape_cast %swap3A_71 : vector<1x16xf32> to vector<16xf32>
      %swap3A_73 = vector.shape_cast %broadcast_in_dim3A_68 : vector<16xf32> to vector<1x16xf32>
      tpu.vector_store %arg8[%swap3A_69, %swap3A_70], %swap3A_73 {strides = array<i32>} : memref<128x128xf32, #tpu.memory_space<vmem>>, vector<1x16xf32>,
      %broadcast_in_dim3A_74 = arith.constant 0.000000e+00 : f32
      %broadcast_in_dim3A_75 = vector.broadcast %broadcast_in_dim3A_74 : f32 to vector<16xf32>
      %swap3A_76 = arith.index_cast %scan3A_26 : i32 to index
      %swap3A_77 = arith.constant 112 : index
      %swap3A_78 = tpu.vector_load %arg8[%swap3A_76, %swap3A_77] {strides = array<i32>} : memref<128x128xf32, #tpu.memory_space<vmem>>, vector<1x16xf32>,
      %swap3A_79 = vector.shape_cast %swap3A_78 : vector<1x16xf32> to vector<16xf32>
      %swap3A_80 = vector.shape_cast %broadcast_in_dim3A_75 : vector<16xf32> to vector<1x16xf32>
      tpu.vector_store %arg8[%swap3A_76, %swap3A_77], %swap3A_80 {strides = array<i32>} : memref<128x128xf32, #tpu.memory_space<vmem>>, vector<1x16xf32>,
    }
    %scan3A_6 = arith.constant 128 : i32
    %mul3A_7 = arith.constant 632 : i32
    %mul3A_8 = arith.muli %arg1, %mul3A_7 : i32
    "tpu.region"() ({
      %run_scoped3A_26 = tpu.sem_alloc : memref<!tpu.dma_semaphore, #tpu.memory_space<semaphore_mem>>
      %dma_start3A = arith.constant 0 : i32
      %dma_start3A_27 = tpu.memref_slice %arg5[%mul3A_8, %dma_start3A] : memref<10112x128xf32, #tpu.memory_space<vmem_shared>> -> memref<128x128xf32, #tpu.memory_space<vmem_shared>>
      %dma_start3A_28 = arith.constant 0 : i32
      %dma_start3A_29 = tpu.memref_slice %arg5[%mul3A_8, %dma_start3A_28] : memref<10112x128xf32, #tpu.memory_space<vmem_shared>> -> memref<128x128xf32, #tpu.memory_space<vmem_shared>>
      tpu.enqueue_dma source(%arg8 : memref<128x128xf32, #tpu.memory_space<vmem>>) target(%dma_start3A_29 : memref<128x128xf32, #tpu.memory_space<vmem_shared>>) target_semaphore(%run_scoped3A_26 : memref<!tpu.dma_semaphore, #tpu.memory_space<semaphore_mem>>)
      %dma_wait3A = arith.constant 0 : i32
      %dma_wait3A_30 = tpu.memref_slice %arg5[%mul3A_8, %dma_wait3A] : memref<10112x128xf32, #tpu.memory_space<vmem_shared>> -> memref<128x128xf32, #tpu.memory_space<vmem_shared>>
      %dma_wait3A_31 = arith.constant 0 : i32
      %dma_wait3A_32 = tpu.memref_slice %arg5[%mul3A_8, %dma_wait3A_31] : memref<10112x128xf32, #tpu.memory_space<vmem_shared>> -> memref<128x128xf32, #tpu.memory_space<vmem_shared>>
      tpu.wait_dma2 semaphore(%run_scoped3A_26 : memref<!tpu.dma_semaphore, #tpu.memory_space<semaphore_mem>>) src(%arg8 : memref<128x128xf32, #tpu.memory_space<vmem>>) dst(%dma_wait3A_32 : memref<128x128xf32, #tpu.memory_space<vmem_shared>>)
      tpu.yield
    }) : () -> ()
    %add3A_9 = arith.constant 128 : i32
    %add3A_10 = arith.addi %mul3A_8, %add3A_9 : i32
    "tpu.region"() ({
      %run_scoped3A_26 = tpu.sem_alloc : memref<!tpu.dma_semaphore, #tpu.memory_space<semaphore_mem>>
      %dma_start3A = arith.constant 0 : i32
      %dma_start3A_27 = tpu.memref_slice %arg5[%add3A_10, %dma_start3A] : memref<10112x128xf32, #tpu.memory_space<vmem_shared>> -> memref<128x128xf32, #tpu.memory_space<vmem_shared>>
      %dma_start3A_28 = arith.constant 0 : i32
      %dma_start3A_29 = tpu.memref_slice %arg5[%add3A_10, %dma_start3A_28] : memref<10112x128xf32, #tpu.memory_space<vmem_shared>> -> memref<128x128xf32, #tpu.memory_space<vmem_shared>>
      tpu.enqueue_dma source(%arg8 : memref<128x128xf32, #tpu.memory_space<vmem>>) target(%dma_start3A_29 : memref<128x128xf32, #tpu.memory_space<vmem_shared>>) target_semaphore(%run_scoped3A_26 : memref<!tpu.dma_semaphore, #tpu.memory_space<semaphore_mem>>)
      %dma_wait3A = arith.constant 0 : i32
      %dma_wait3A_30 = tpu.memref_slice %arg5[%add3A_10, %dma_wait3A] : memref<10112x128xf32, #tpu.memory_space<vmem_shared>> -> memref<128x128xf32, #tpu.memory_space<vmem_shared>>
      %dma_wait3A_31 = arith.constant 0 : i32
      %dma_wait3A_32 = tpu.memref_slice %arg5[%add3A_10, %dma_wait3A_31] : memref<10112x128xf32, #tpu.memory_space<vmem_shared>> -> memref<128x128xf32, #tpu.memory_space<vmem_shared>>
      tpu.wait_dma2 semaphore(%run_scoped3A_26 : memref<!tpu.dma_semaphore, #tpu.memory_space<semaphore_mem>>) src(%arg8 : memref<128x128xf32, #tpu.memory_space<vmem>>) dst(%dma_wait3A_32 : memref<128x128xf32, #tpu.memory_space<vmem_shared>>)
      tpu.yield
    }) : () -> ()
    %add3A_11 = arith.constant 256 : i32
    %add3A_12 = arith.addi %mul3A_8, %add3A_11 : i32
    "tpu.region"() ({
      %run_scoped3A_26 = tpu.sem_alloc : memref<!tpu.dma_semaphore, #tpu.memory_space<semaphore_mem>>
      %dma_start3A = arith.constant 0 : i32
      %dma_start3A_27 = tpu.memref_slice %arg5[%add3A_12, %dma_start3A] : memref<10112x128xf32, #tpu.memory_space<vmem_shared>> -> memref<128x128xf32, #tpu.memory_space<vmem_shared>>
      %dma_start3A_28 = arith.constant 0 : i32
      %dma_start3A_29 = tpu.memref_slice %arg5[%add3A_12, %dma_start3A_28] : memref<10112x128xf32, #tpu.memory_space<vmem_shared>> -> memref<128x128xf32, #tpu.memory_space<vmem_shared>>
      tpu.enqueue_dma source(%arg8 : memref<128x128xf32, #tpu.memory_space<vmem>>) target(%dma_start3A_29 : memref<128x128xf32, #tpu.memory_space<vmem_shared>>) target_semaphore(%run_scoped3A_26 : memref<!tpu.dma_semaphore, #tpu.memory_space<semaphore_mem>>)
      %dma_wait3A = arith.constant 0 : i32
      %dma_wait3A_30 = tpu.memref_slice %arg5[%add3A_12, %dma_wait3A] : memref<10112x128xf32, #tpu.memory_space<vmem_shared>> -> memref<128x128xf32, #tpu.memory_space<vmem_shared>>
      %dma_wait3A_31 = arith.constant 0 : i32
      %dma_wait3A_32 = tpu.memref_slice %arg5[%add3A_12, %dma_wait3A_31] : memref<10112x128xf32, #tpu.memory_space<vmem_shared>> -> memref<128x128xf32, #tpu.memory_space<vmem_shared>>
      tpu.wait_dma2 semaphore(%run_scoped3A_26 : memref<!tpu.dma_semaphore, #tpu.memory_space<semaphore_mem>>) src(%arg8 : memref<128x128xf32, #tpu.memory_space<vmem>>) dst(%dma_wait3A_32 : memref<128x128xf32, #tpu.memory_space<vmem_shared>>)
      tpu.yield
    }) : () -> ()
    %add3A_13 = arith.constant 384 : i32
    %add3A_14 = arith.addi %mul3A_8, %add3A_13 : i32
    "tpu.region"() ({
      %run_scoped3A_26 = tpu.sem_alloc : memref<!tpu.dma_semaphore, #tpu.memory_space<semaphore_mem>>
      %dma_start3A = arith.constant 0 : i32
      %dma_start3A_27 = tpu.memref_slice %arg5[%add3A_14, %dma_start3A] : memref<10112x128xf32, #tpu.memory_space<vmem_shared>> -> memref<128x128xf32, #tpu.memory_space<vmem_shared>>
      %dma_start3A_28 = arith.constant 0 : i32
      %dma_start3A_29 = tpu.memref_slice %arg5[%add3A_14, %dma_start3A_28] : memref<10112x128xf32, #tpu.memory_space<vmem_shared>> -> memref<128x128xf32, #tpu.memory_space<vmem_shared>>
      tpu.enqueue_dma source(%arg8 : memref<128x128xf32, #tpu.memory_space<vmem>>) target(%dma_start3A_29 : memref<128x128xf32, #tpu.memory_space<vmem_shared>>) target_semaphore(%run_scoped3A_26 : memref<!tpu.dma_semaphore, #tpu.memory_space<semaphore_mem>>)
      %dma_wait3A = arith.constant 0 : i32
      %dma_wait3A_30 = tpu.memref_slice %arg5[%add3A_14, %dma_wait3A] : memref<10112x128xf32, #tpu.memory_space<vmem_shared>> -> memref<128x128xf32, #tpu.memory_space<vmem_shared>>
      %dma_wait3A_31 = arith.constant 0 : i32
      %dma_wait3A_32 = tpu.memref_slice %arg5[%add3A_14, %dma_wait3A_31] : memref<10112x128xf32, #tpu.memory_space<vmem_shared>> -> memref<128x128xf32, #tpu.memory_space<vmem_shared>>
      tpu.wait_dma2 semaphore(%run_scoped3A_26 : memref<!tpu.dma_semaphore, #tpu.memory_space<semaphore_mem>>) src(%arg8 : memref<128x128xf32, #tpu.memory_space<vmem>>) dst(%dma_wait3A_32 : memref<128x128xf32, #tpu.memory_space<vmem_shared>>)
      tpu.yield
    }) : () -> ()
    %add3A_15 = arith.constant 512 : i32
    %add3A_16 = arith.addi %mul3A_8, %add3A_15 : i32
    "tpu.region"() ({
      %run_scoped3A_26 = tpu.sem_alloc : memref<!tpu.dma_semaphore, #tpu.memory_space<semaphore_mem>>
      %dma_start3A = arith.constant 0 : i32
      %dma_start3A_27 = arith.constant 0 : i32
      %dma_start3A_28 = tpu.memref_slice %arg8[%dma_start3A, %dma_start3A_27] : memref<128x128xf32, #tpu.memory_space<vmem>> -> memref<120x128xf32, #tpu.memory_space<vmem>>
      %dma_start3A_29 = arith.constant 0 : i32
      %dma_start3A_30 = tpu.memref_slice %arg5[%add3A_16, %dma_start3A_29] : memref<10112x128xf32, #tpu.memory_space<vmem_shared>> -> memref<120x128xf32, #tpu.memory_space<vmem_shared>>
      %dma_start3A_31 = arith.constant 0 : i32
      %dma_start3A_32 = tpu.memref_slice %arg5[%add3A_16, %dma_start3A_31] : memref<10112x128xf32, #tpu.memory_space<vmem_shared>> -> memref<120x128xf32, #tpu.memory_space<vmem_shared>>
      %dma_start3A_33 = arith.constant 0 : i32
      %dma_start3A_34 = arith.constant 0 : i32
      %dma_start3A_35 = tpu.memref_slice %arg8[%dma_start3A_33, %dma_start3A_34] : memref<128x128xf32, #tpu.memory_space<vmem>> -> memref<120x128xf32, #tpu.memory_space<vmem>>
      tpu.enqueue_dma source(%dma_start3A_35 : memref<120x128xf32, #tpu.memory_space<vmem>>) target(%dma_start3A_32 : memref<120x128xf32, #tpu.memory_space<vmem_shared>>) target_semaphore(%run_scoped3A_26 : memref<!tpu.dma_semaphore, #tpu.memory_space<semaphore_mem>>)
      %dma_wait3A = arith.constant 0 : i32
      %dma_wait3A_36 = arith.constant 0 : i32
      %dma_wait3A_37 = tpu.memref_slice %arg8[%dma_wait3A, %dma_wait3A_36] : memref<128x128xf32, #tpu.memory_space<vmem>> -> memref<120x128xf32, #tpu.memory_space<vmem>>
      %dma_wait3A_38 = arith.constant 0 : i32
      %dma_wait3A_39 = tpu.memref_slice %arg5[%add3A_16, %dma_wait3A_38] : memref<10112x128xf32, #tpu.memory_space<vmem_shared>> -> memref<120x128xf32, #tpu.memory_space<vmem_shared>>
      %dma_wait3A_40 = arith.constant 0 : i32
      %dma_wait3A_41 = tpu.memref_slice %arg5[%add3A_16, %dma_wait3A_40] : memref<10112x128xf32, #tpu.memory_space<vmem_shared>> -> memref<120x128xf32, #tpu.memory_space<vmem_shared>>
      %dma_wait3A_42 = arith.constant 0 : i32
      %dma_wait3A_43 = arith.constant 0 : i32
      %dma_wait3A_44 = tpu.memref_slice %arg8[%dma_wait3A_42, %dma_wait3A_43] : memref<128x128xf32, #tpu.memory_space<vmem>> -> memref<120x128xf32, #tpu.memory_space<vmem>>
      tpu.wait_dma2 semaphore(%run_scoped3A_26 : memref<!tpu.dma_semaphore, #tpu.memory_space<semaphore_mem>>) src(%dma_wait3A_44 : memref<120x128xf32, #tpu.memory_space<vmem>>) dst(%dma_wait3A_41 : memref<120x128xf32, #tpu.memory_space<vmem_shared>>)
      tpu.yield
    }) : () -> ()
    %barrier3A = arith.constant 0 : index
    tpu.barrier barrier_id(%barrier3A)
    %scan3A_17 = arith.constant 0 : i32
    %scan3A_18 = arith.constant 0 : i32
    %scan3A_19 = arith.constant 79 : i32
    %scan3A_20 = arith.addi %scan3A_18, %scan3A_19 : i32
    %scan3A_21 = arith.constant 1 : i32
    scf.for %scan3A_26 = %scan3A_18 to %scan3A_20 step %scan3A_21  : i32 {
      "tpu.region"() ({
        %run_scoped3A_27 = tpu.sem_alloc : memref<!tpu.dma_semaphore, #tpu.memory_space<semaphore_mem>>
        %dma_start3A = arith.constant 0 : i32
        %dma_start3A_28 = tpu.memref_slice %arg6[%scan3A_26, %dma_start3A] : memref<79x128xi32, #tpu.memory_space<vmem>> -> memref<1x128xi32, #tpu.memory_space<vmem>>
        %dma_start3A_29 = tpu.memref_squeeze %dma_start3A_28 : memref<1x128xi32, #tpu.memory_space<vmem>> -> memref<128xi32, #tpu.memory_space<vmem>>
        %dma_start3A_30 = arith.constant 0 : i32
        %dma_start3A_31 = arith.constant 0 : i32
        %dma_start3A_32 = tpu.memref_slice %arg3[%dma_start3A_30, %dma_start3A_31] : memref<10000x128xf32, #tpu.memory_space<hbm>> -> memref<10000x128xf32, #tpu.memory_space<hbm>>
        tpu.enqueue_indirect_dma source(%dma_start3A_32 : memref<10000x128xf32, #tpu.memory_space<hbm>>) target(%arg8 : memref<128x128xf32, #tpu.memory_space<vmem>>) offsets(%dma_start3A_29 : memref<128xi32, #tpu.memory_space<vmem>>) semaphore(%run_scoped3A_27 : memref<!tpu.dma_semaphore, #tpu.memory_space<semaphore_mem>>)
        %dma_wait3A = arith.constant 0 : i32
        %dma_wait3A_33 = tpu.memref_slice %arg6[%scan3A_26, %dma_wait3A] : memref<79x128xi32, #tpu.memory_space<vmem>> -> memref<1x128xi32, #tpu.memory_space<vmem>>
        %dma_wait3A_34 = tpu.memref_squeeze %dma_wait3A_33 : memref<1x128xi32, #tpu.memory_space<vmem>> -> memref<128xi32, #tpu.memory_space<vmem>>
        %dma_wait3A_35 = arith.constant 0 : i32
        %dma_wait3A_36 = arith.constant 0 : i32
        %dma_wait3A_37 = tpu.memref_slice %arg3[%dma_wait3A_35, %dma_wait3A_36] : memref<10000x128xf32, #tpu.memory_space<hbm>> -> memref<10000x128xf32, #tpu.memory_space<hbm>>
        tpu.wait_indirect_dma semaphore(%run_scoped3A_27 : memref<!tpu.dma_semaphore, #tpu.memory_space<semaphore_mem>>) src(%dma_wait3A_37 : memref<10000x128xf32, #tpu.memory_space<hbm>>) dst(%arg8 : memref<128x128xf32, #tpu.memory_space<vmem>>)
        tpu.yield
      }) : () -> ()
      "tpu.region"() ({
        %run_scoped3A_27 = tpu.sem_alloc : memref<!tpu.dma_semaphore, #tpu.memory_space<semaphore_mem>>
        %dma_start3A = arith.constant 0 : i32
        %dma_start3A_28 = tpu.memref_slice %arg7[%scan3A_26, %dma_start3A] : memref<79x128xi32, #tpu.memory_space<vmem>> -> memref<1x128xi32, #tpu.memory_space<vmem>>
        %dma_start3A_29 = tpu.memref_squeeze %dma_start3A_28 : memref<1x128xi32, #tpu.memory_space<vmem>> -> memref<128xi32, #tpu.memory_space<vmem>>
        %dma_start3A_30 = arith.constant 0 : i32
        %dma_start3A_31 = arith.constant 0 : i32
        %dma_start3A_32 = tpu.memref_slice %arg5[%dma_start3A_30, %dma_start3A_31] : memref<10112x128xf32, #tpu.memory_space<vmem_shared>> -> memref<10112x128xf32, #tpu.memory_space<vmem_shared>>
        tpu.enqueue_indirect_dma source(%arg8 : memref<128x128xf32, #tpu.memory_space<vmem>>) target(%dma_start3A_32 : memref<10112x128xf32, #tpu.memory_space<vmem_shared>>) offsets(%dma_start3A_29 : memref<128xi32, #tpu.memory_space<vmem>>) semaphore(%run_scoped3A_27 : memref<!tpu.dma_semaphore, #tpu.memory_space<semaphore_mem>>) {add = true}
        %dma_wait3A = arith.constant 0 : i32
        %dma_wait3A_33 = tpu.memref_slice %arg7[%scan3A_26, %dma_wait3A] : memref<79x128xi32, #tpu.memory_space<vmem>> -> memref<1x128xi32, #tpu.memory_space<vmem>>
        %dma_wait3A_34 = tpu.memref_squeeze %dma_wait3A_33 : memref<1x128xi32, #tpu.memory_space<vmem>> -> memref<128xi32, #tpu.memory_space<vmem>>
        %dma_wait3A_35 = arith.constant 0 : i32
        %dma_wait3A_36 = arith.constant 0 : i32
        %dma_wait3A_37 = tpu.memref_slice %arg5[%dma_wait3A_35, %dma_wait3A_36] : memref<10112x128xf32, #tpu.memory_space<vmem_shared>> -> memref<10112x128xf32, #tpu.memory_space<vmem_shared>>
        tpu.wait_indirect_dma semaphore(%run_scoped3A_27 : memref<!tpu.dma_semaphore, #tpu.memory_space<semaphore_mem>>) src(%arg8 : memref<128x128xf32, #tpu.memory_space<vmem>>) dst(%dma_wait3A_37 : memref<10112x128xf32, #tpu.memory_space<vmem_shared>>)
        tpu.yield
      }) : () -> ()
    }
    %scan3A_22 = arith.constant 79 : i32
    %barrier3A_23 = arith.constant 0 : index
    tpu.barrier barrier_id(%barrier3A_23)
    %mul3A_24 = arith.constant 632 : i32
    %mul3A_25 = arith.muli %arg1, %mul3A_24 : i32
    "tpu.region"() ({
      %run_scoped3A_26 = tpu.sem_alloc : memref<!tpu.dma_semaphore, #tpu.memory_space<semaphore_mem>>
      %dma_start3A = arith.constant 0 : i32
      %dma_start3A_27 = tpu.memref_slice %arg4[%arg0, %mul3A_25, %dma_start3A] : memref<2x10112x128xf32, #tpu.memory_space<hbm>> -> memref<1x632x128xf32, #tpu.memory_space<hbm>>
      %dma_start3A_28 = tpu.memref_squeeze %dma_start3A_27 : memref<1x632x128xf32, #tpu.memory_space<hbm>> -> memref<632x128xf32, #tpu.memory_space<hbm>>
      %dma_start3A_29 = arith.constant 0 : i32
      %dma_start3A_30 = tpu.memref_slice %arg5[%mul3A_25, %dma_start3A_29] : memref<10112x128xf32, #tpu.memory_space<vmem_shared>> -> memref<632x128xf32, #tpu.memory_space<vmem_shared>>
      tpu.enqueue_dma source(%dma_start3A_30 : memref<632x128xf32, #tpu.memory_space<vmem_shared>>) target(%dma_start3A_28 : memref<632x128xf32, #tpu.memory_space<hbm>>) target_semaphore(%run_scoped3A_26 : memref<!tpu.dma_semaphore, #tpu.memory_space<semaphore_mem>>)
      %dma_wait3A = arith.constant 0 : i32
      %dma_wait3A_31 = tpu.memref_slice %arg4[%arg0, %mul3A_25, %dma_wait3A] : memref<2x10112x128xf32, #tpu.memory_space<hbm>> -> memref<1x632x128xf32, #tpu.memory_space<hbm>>
      %dma_wait3A_32 = tpu.memref_squeeze %dma_wait3A_31 : memref<1x632x128xf32, #tpu.memory_space<hbm>> -> memref<632x128xf32, #tpu.memory_space<hbm>>
      %dma_wait3A_33 = arith.constant 0 : i32
      %dma_wait3A_34 = tpu.memref_slice %arg5[%mul3A_25, %dma_wait3A_33] : memref<10112x128xf32, #tpu.memory_space<vmem_shared>> -> memref<632x128xf32, #tpu.memory_space<vmem_shared>>
      tpu.wait_dma2 semaphore(%run_scoped3A_26 : memref<!tpu.dma_semaphore, #tpu.memory_space<semaphore_mem>>) src(%dma_wait3A_34 : memref<632x128xf32, #tpu.memory_space<vmem_shared>>) dst(%dma_wait3A_32 : memref<632x128xf32, #tpu.memory_space<hbm>>)
      tpu.yield
    }) : () -> ()
    return
  }
}

module attributes {stable_mosaic.version = 14 : i64} {
  func.func @_mlp_body(%arg0: i32, %arg1: memref<1x1xf32, #tpu.memory_space<smem>>, %arg2: memref<1000x128xf32, #tpu.memory_space<vmem>>, %arg3: memref<1000x128xf32, #tpu.memory_space<vmem>>, %arg4: memref<1000x128xf32, #tpu.memory_space<vmem>>, %arg5: memref<128x256xf32, #tpu.memory_space<vmem>>, %arg6: memref<1x256xf32, #tpu.memory_space<vmem>>, %arg7: memref<256x128xf32, #tpu.memory_space<vmem>>, %arg8: memref<1x128xf32, #tpu.memory_space<vmem>>, %arg9: memref<1000x128xf32, #tpu.memory_space<vmem>>) attributes {dimension_semantics = [#tpu.dimension_semantics<arbitrary>], iteration_bounds = array<i64: 10>, scalar_prefetch = 0 : i64, scratch_operands = 0 : i64, tpu.core_type = #tpu.core_type<tc>, window_params = [{transform_indices = @transform_0, window_bounds = array<i64: 1, 1>}, {transform_indices = @transform_1, window_bounds = array<i64: 1000, 128>}, {transform_indices = @transform_2, window_bounds = array<i64: 1000, 128>}, {transform_indices = @transform_3, window_bounds = array<i64: 1000, 128>}, {pipeline_mode = #tpu.pipeline_mode<synchronous>, transform_indices = @transform_4, window_bounds = array<i64: 128, 256>}, {pipeline_mode = #tpu.pipeline_mode<synchronous>, transform_indices = @transform_5, window_bounds = array<i64: 1, 256>}, {pipeline_mode = #tpu.pipeline_mode<synchronous>, transform_indices = @transform_6, window_bounds = array<i64: 256, 128>}, {pipeline_mode = #tpu.pipeline_mode<synchronous>, transform_indices = @transform_7, window_bounds = array<i64: 1, 128>}, {transform_indices = @transform_8, window_bounds = array<i64: 1000, 128>}]} {
    %get3A = arith.constant 0 : index
    %get3A_0 = arith.constant 0 : index
    %get3A_1 = vector.load %arg2[%get3A, %get3A_0] : memref<1000x128xf32, #tpu.memory_space<vmem>>, vector<1000x128xf32>
    %get3A_2 = arith.constant 0 : index
    %get3A_3 = arith.constant 0 : index
    %get3A_4 = memref.load %arg1[%get3A_2, %get3A_3] : memref<1x1xf32, #tpu.memory_space<smem>>
    %mul3A = vector.broadcast %get3A_4 : f32 to vector<1000x128xf32>
    %mul3A_5 = arith.mulf %get3A_1, %mul3A : vector<1000x128xf32>
    %get3A_6 = arith.constant 0 : index
    %get3A_7 = arith.constant 0 : index
    %get3A_8 = vector.load %arg3[%get3A_6, %get3A_7] : memref<1000x128xf32, #tpu.memory_space<vmem>>, vector<1000x128xf32>
    %add3A = arith.addf %mul3A_5, %get3A_8 : vector<1000x128xf32>
    %get3A_9 = arith.constant 0 : index
    %get3A_10 = arith.constant 0 : index
    %get3A_11 = vector.load %arg4[%get3A_9, %get3A_10] : memref<1000x128xf32, #tpu.memory_space<vmem>>, vector<1000x128xf32>
    %add3A_12 = arith.addf %add3A, %get3A_11 : vector<1000x128xf32>
    %get3A_13 = arith.constant 0 : index
    %get3A_14 = arith.constant 0 : index
    %get3A_15 = vector.load %arg5[%get3A_13, %get3A_14] : memref<128x256xf32, #tpu.memory_space<vmem>>, vector<128x256xf32>
    %dot_general3A = arith.constant dense<0.000000e+00> : vector<1000x256xf32>
    %dot_general3A_16 = tpu.matmul %add3A_12, %get3A_15, %dot_general3A {dimension_numbers = #tpu.dot_dimension_numbers<[1], [0], [0], [1], [0, 0, 1, 1], [], []>, transpose_lhs_hint = false} : vector<1000x128xf32>, vector<128x256xf32>, vector<1000x256xf32> -> vector<1000x256xf32>
    %get3A_17 = arith.constant 0 : index
    %get3A_18 = arith.constant 0 : index
    %get3A_19 = vector.load %arg6[%get3A_17, %get3A_18] : memref<1x256xf32, #tpu.memory_space<vmem>>, vector<1x256xf32>
    %add3A_20 = vector.broadcast %get3A_19 : vector<1x256xf32> to vector<1000x256xf32>
    %add3A_21 = arith.addf %dot_general3A_16, %add3A_20 : vector<1000x256xf32>
    %max3A = arith.constant 0.000000e+00 : f32
    %max3A_22 = vector.broadcast %max3A : f32 to vector<1000x256xf32>
    %max3A_23 = arith.maximumf %add3A_21, %max3A_22 : vector<1000x256xf32>
    %get3A_24 = arith.constant 0 : index
    %get3A_25 = arith.constant 0 : index
    %get3A_26 = vector.load %arg7[%get3A_24, %get3A_25] : memref<256x128xf32, #tpu.memory_space<vmem>>, vector<256x128xf32>
    %dot_general3A_27 = arith.constant dense<0.000000e+00> : vector<1000x128xf32>
    %dot_general3A_28 = tpu.matmul %max3A_23, %get3A_26, %dot_general3A_27 {dimension_numbers = #tpu.dot_dimension_numbers<[1], [0], [0], [1], [0, 0, 1, 1], [], []>, transpose_lhs_hint = false} : vector<1000x256xf32>, vector<256x128xf32>, vector<1000x128xf32> -> vector<1000x128xf32>
    %get3A_29 = arith.constant 0 : index
    %get3A_30 = arith.constant 0 : index
    %get3A_31 = vector.load %arg8[%get3A_29, %get3A_30] : memref<1x128xf32, #tpu.memory_space<vmem>>, vector<1x128xf32>
    %add3A_32 = vector.broadcast %get3A_31 : vector<1x128xf32> to vector<1000x128xf32>
    %add3A_33 = arith.addf %dot_general3A_28, %add3A_32 : vector<1000x128xf32>
    %max3A_34 = arith.constant 0.000000e+00 : f32
    %max3A_35 = vector.broadcast %max3A_34 : f32 to vector<1000x128xf32>
    %max3A_36 = arith.maximumf %add3A_33, %max3A_35 : vector<1000x128xf32>
    %swap3A = arith.constant 0 : index
    %swap3A_37 = arith.constant 0 : index
    %swap3A_38 = vector.load %arg9[%swap3A, %swap3A_37] : memref<1000x128xf32, #tpu.memory_space<vmem>>, vector<1000x128xf32>
    tpu.vector_store %arg9[%swap3A, %swap3A_37], %max3A_36 {strides = array<i32>} : memref<1000x128xf32, #tpu.memory_space<vmem>>, vector<1000x128xf32>,
    return
  }
  func.func @transform_0(%arg0: i32) -> (i32, i32) {
    %c0_i32 = arith.constant 0 : i32
    %c0_i32_0 = arith.constant 0 : i32
    %c0_i32_1 = arith.constant 0 : i32
    return %c0_i32, %c0_i32_0 : i32, i32
  }
  func.func @transform_1(%arg0: i32) -> (i32, i32) {
    %c0_i32 = arith.constant 0 : i32
    %c0_i32_0 = arith.constant 0 : i32
    return %arg0, %c0_i32 : i32, i32
  }
  func.func @transform_2(%arg0: i32) -> (i32, i32) {
    %c0_i32 = arith.constant 0 : i32
    %c0_i32_0 = arith.constant 0 : i32
    return %arg0, %c0_i32 : i32, i32
  }
  func.func @transform_3(%arg0: i32) -> (i32, i32) {
    %c0_i32 = arith.constant 0 : i32
    %c0_i32_0 = arith.constant 0 : i32
    return %arg0, %c0_i32 : i32, i32
  }
  func.func @transform_4(%arg0: i32) -> (i32, i32) {
    %c0_i32 = arith.constant 0 : i32
    %c0_i32_0 = arith.constant 0 : i32
    %c0_i32_1 = arith.constant 0 : i32
    return %c0_i32, %c0_i32_0 : i32, i32
  }
  func.func @transform_5(%arg0: i32) -> (i32, i32) {
    %c0_i32 = arith.constant 0 : i32
    %c0_i32_0 = arith.constant 0 : i32
    %c0_i32_1 = arith.constant 0 : i32
    return %c0_i32, %c0_i32_0 : i32, i32
  }
  func.func @transform_6(%arg0: i32) -> (i32, i32) {
    %c0_i32 = arith.constant 0 : i32
    %c0_i32_0 = arith.constant 0 : i32
    %c0_i32_1 = arith.constant 0 : i32
    return %c0_i32, %c0_i32_0 : i32, i32
  }
  func.func @transform_7(%arg0: i32) -> (i32, i32) {
    %c0_i32 = arith.constant 0 : i32
    %c0_i32_0 = arith.constant 0 : i32
    %c0_i32_1 = arith.constant 0 : i32
    return %c0_i32, %c0_i32_0 : i32, i32
  }
  func.func @transform_8(%arg0: i32) -> (i32, i32) {
    %c0_i32 = arith.constant 0 : i32
    %c0_i32_0 = arith.constant 0 : i32
    return %arg0, %c0_i32 : i32, i32
  }
}

module attributes {stable_mosaic.version = 14 : i64} {
  func.func @_mlp_pool_body(%arg0: i32, %arg1: memref<1x1xf32, #tpu.memory_space<smem>>, %arg2: memref<1000x128xf32, #tpu.memory_space<vmem>>, %arg3: memref<1000x128xf32, #tpu.memory_space<vmem>>, %arg4: memref<1000x128xf32, #tpu.memory_space<vmem>>, %arg5: memref<128x256xf32, #tpu.memory_space<vmem>>, %arg6: memref<1x256xf32, #tpu.memory_space<vmem>>, %arg7: memref<256x128xf32, #tpu.memory_space<vmem>>, %arg8: memref<1x128xf32, #tpu.memory_space<vmem>>, %arg9: memref<1x1x1000xi32, #tpu.memory_space<vmem>>, %arg10: memref<128x128xf32, #tpu.memory_space<vmem>>) attributes {dimension_semantics = [#tpu.dimension_semantics<arbitrary>], iteration_bounds = array<i64: 10>, scalar_prefetch = 0 : i64, scratch_operands = 0 : i64, tpu.core_type = #tpu.core_type<tc>, window_params = [{transform_indices = @transform_0, window_bounds = array<i64: 1, 1>}, {transform_indices = @transform_1, window_bounds = array<i64: 1000, 128>}, {transform_indices = @transform_2, window_bounds = array<i64: 1000, 128>}, {transform_indices = @transform_3, window_bounds = array<i64: 1000, 128>}, {pipeline_mode = #tpu.pipeline_mode<synchronous>, transform_indices = @transform_4, window_bounds = array<i64: 128, 256>}, {pipeline_mode = #tpu.pipeline_mode<synchronous>, transform_indices = @transform_5, window_bounds = array<i64: 1, 256>}, {pipeline_mode = #tpu.pipeline_mode<synchronous>, transform_indices = @transform_6, window_bounds = array<i64: 256, 128>}, {pipeline_mode = #tpu.pipeline_mode<synchronous>, transform_indices = @transform_7, window_bounds = array<i64: 1, 128>}, {transform_indices = @transform_8, window_bounds = array<i64: 1, 1, 1000>}, {pipeline_mode = #tpu.pipeline_mode<synchronous>, transform_indices = @transform_9, window_bounds = array<i64: 128, 128>}]} {
    %get3A = arith.constant 0 : index
    %get3A_0 = arith.constant 0 : index
    %get3A_1 = vector.load %arg2[%get3A, %get3A_0] : memref<1000x128xf32, #tpu.memory_space<vmem>>, vector<1000x128xf32>
    %get3A_2 = arith.constant 0 : index
    %get3A_3 = arith.constant 0 : index
    %get3A_4 = memref.load %arg1[%get3A_2, %get3A_3] : memref<1x1xf32, #tpu.memory_space<smem>>
    %mul3A = vector.broadcast %get3A_4 : f32 to vector<1000x128xf32>
    %mul3A_5 = arith.mulf %get3A_1, %mul3A : vector<1000x128xf32>
    %get3A_6 = arith.constant 0 : index
    %get3A_7 = arith.constant 0 : index
    %get3A_8 = vector.load %arg3[%get3A_6, %get3A_7] : memref<1000x128xf32, #tpu.memory_space<vmem>>, vector<1000x128xf32>
    %add3A = arith.addf %mul3A_5, %get3A_8 : vector<1000x128xf32>
    %get3A_9 = arith.constant 0 : index
    %get3A_10 = arith.constant 0 : index
    %get3A_11 = vector.load %arg4[%get3A_9, %get3A_10] : memref<1000x128xf32, #tpu.memory_space<vmem>>, vector<1000x128xf32>
    %add3A_12 = arith.addf %add3A, %get3A_11 : vector<1000x128xf32>
    %get3A_13 = arith.constant 0 : index
    %get3A_14 = arith.constant 0 : index
    %get3A_15 = vector.load %arg5[%get3A_13, %get3A_14] : memref<128x256xf32, #tpu.memory_space<vmem>>, vector<128x256xf32>
    %dot_general3A = arith.constant dense<0.000000e+00> : vector<1000x256xf32>
    %dot_general3A_16 = tpu.matmul %add3A_12, %get3A_15, %dot_general3A {dimension_numbers = #tpu.dot_dimension_numbers<[1], [0], [0], [1], [0, 0, 1, 1], [], []>, transpose_lhs_hint = false} : vector<1000x128xf32>, vector<128x256xf32>, vector<1000x256xf32> -> vector<1000x256xf32>
    %get3A_17 = arith.constant 0 : index
    %get3A_18 = arith.constant 0 : index
    %get3A_19 = vector.load %arg6[%get3A_17, %get3A_18] : memref<1x256xf32, #tpu.memory_space<vmem>>, vector<1x256xf32>
    %add3A_20 = vector.broadcast %get3A_19 : vector<1x256xf32> to vector<1000x256xf32>
    %add3A_21 = arith.addf %dot_general3A_16, %add3A_20 : vector<1000x256xf32>
    %max3A = arith.constant 0.000000e+00 : f32
    %max3A_22 = vector.broadcast %max3A : f32 to vector<1000x256xf32>
    %max3A_23 = arith.maximumf %add3A_21, %max3A_22 : vector<1000x256xf32>
    %get3A_24 = arith.constant 0 : index
    %get3A_25 = arith.constant 0 : index
    %get3A_26 = vector.load %arg7[%get3A_24, %get3A_25] : memref<256x128xf32, #tpu.memory_space<vmem>>, vector<256x128xf32>
    %dot_general3A_27 = arith.constant dense<0.000000e+00> : vector<1000x128xf32>
    %dot_general3A_28 = tpu.matmul %max3A_23, %get3A_26, %dot_general3A_27 {dimension_numbers = #tpu.dot_dimension_numbers<[1], [0], [0], [1], [0, 0, 1, 1], [], []>, transpose_lhs_hint = false} : vector<1000x256xf32>, vector<256x128xf32>, vector<1000x128xf32> -> vector<1000x128xf32>
    %get3A_29 = arith.constant 0 : index
    %get3A_30 = arith.constant 0 : index
    %get3A_31 = vector.load %arg8[%get3A_29, %get3A_30] : memref<1x128xf32, #tpu.memory_space<vmem>>, vector<1x128xf32>
    %add3A_32 = vector.broadcast %get3A_31 : vector<1x128xf32> to vector<1000x128xf32>
    %add3A_33 = arith.addf %dot_general3A_28, %add3A_32 : vector<1000x128xf32>
    %max3A_34 = arith.constant 0.000000e+00 : f32
    %max3A_35 = vector.broadcast %max3A_34 : f32 to vector<1000x128xf32>
    %max3A_36 = arith.maximumf %add3A_33, %max3A_35 : vector<1000x128xf32>
    %iota3A = tpu.iota {dimensions = array<i32: 0>} : vector<128x1000xi32>
    %get3A_37 = arith.constant 0 : index
    %get3A_38 = arith.constant 0 : index
    %get3A_39 = arith.constant 0 : index
    %get3A_40 = vector.load %arg9[%get3A_37, %get3A_38, %get3A_39] : memref<1x1x1000xi32, #tpu.memory_space<vmem>>, vector<1x1x1000xi32>
    %get3A_41 = vector.shape_cast %get3A_40 : vector<1x1x1000xi32> to vector<1000xi32>
    %broadcast_in_dim3A = vector.shape_cast %get3A_41 : vector<1000xi32> to vector<1x1000xi32>
    %eq3A = vector.broadcast %broadcast_in_dim3A : vector<1x1000xi32> to vector<128x1000xi32>
    %eq3A_42 = arith.cmpi eq, %iota3A, %eq3A : vector<128x1000xi32>
    %convert_element_type3A = arith.extui %eq3A_42 : vector<128x1000xi1> to vector<128x1000xi32>
    %convert_element_type3A_43 = arith.sitofp %convert_element_type3A : vector<128x1000xi32> to vector<128x1000xf32>
    %dot_general3A_44 = arith.constant dense<0.000000e+00> : vector<128x128xf32>
    %dot_general3A_45 = tpu.matmul %convert_element_type3A_43, %max3A_36, %dot_general3A_44 {dimension_numbers = #tpu.dot_dimension_numbers<[1], [0], [0], [1], [0, 0, 1, 1], [], []>, transpose_lhs_hint = false} : vector<128x1000xf32>, vector<1000x128xf32>, vector<128x128xf32> -> vector<128x128xf32>
    %eq3A_46 = arith.constant 0 : i32
    %eq3A_47 = arith.cmpi eq, %arg0, %eq3A_46 : i32
    %convert_element_type3A_48 = arith.extui %eq3A_47 : i1 to i32
    %cond3A = arith.constant 0 : i32
    %cond3A_49 = arith.cmpi ne, %convert_element_type3A_48, %cond3A : i32
    scf.if %cond3A_49 {
      %swap3A = arith.constant 0 : index
      %swap3A_54 = arith.constant 0 : index
      %swap3A_55 = vector.load %arg10[%swap3A, %swap3A_54] : memref<128x128xf32, #tpu.memory_space<vmem>>, vector<128x128xf32>
      tpu.vector_store %arg10[%swap3A, %swap3A_54], %dot_general3A_45 {strides = array<i32>} : memref<128x128xf32, #tpu.memory_space<vmem>>, vector<128x128xf32>,
    } else {
    }
    %gt3A = arith.constant 0 : i32
    %gt3A_50 = arith.cmpi sgt, %arg0, %gt3A : i32
    %convert_element_type3A_51 = arith.extui %gt3A_50 : i1 to i32
    %cond3A_52 = arith.constant 0 : i32
    %cond3A_53 = arith.cmpi ne, %convert_element_type3A_51, %cond3A_52 : i32
    scf.if %cond3A_53 {
      %get3A_54 = arith.constant 0 : index
      %get3A_55 = arith.constant 0 : index
      %get3A_56 = vector.load %arg10[%get3A_54, %get3A_55] : memref<128x128xf32, #tpu.memory_space<vmem>>, vector<128x128xf32>
      %add3A_57 = arith.addf %get3A_56, %dot_general3A_45 : vector<128x128xf32>
      %swap3A = arith.constant 0 : index
      %swap3A_58 = arith.constant 0 : index
      %swap3A_59 = vector.load %arg10[%swap3A, %swap3A_58] : memref<128x128xf32, #tpu.memory_space<vmem>>, vector<128x128xf32>
      tpu.vector_store %arg10[%swap3A, %swap3A_58], %add3A_57 {strides = array<i32>} : memref<128x128xf32, #tpu.memory_space<vmem>>, vector<128x128xf32>,
    } else {
    }
    return
  }
  func.func @transform_0(%arg0: i32) -> (i32, i32) {
    %c0_i32 = arith.constant 0 : i32
    %c0_i32_0 = arith.constant 0 : i32
    %c0_i32_1 = arith.constant 0 : i32
    return %c0_i32, %c0_i32_0 : i32, i32
  }
  func.func @transform_1(%arg0: i32) -> (i32, i32) {
    %c0_i32 = arith.constant 0 : i32
    %c0_i32_0 = arith.constant 0 : i32
    return %arg0, %c0_i32 : i32, i32
  }
  func.func @transform_2(%arg0: i32) -> (i32, i32) {
    %c0_i32 = arith.constant 0 : i32
    %c0_i32_0 = arith.constant 0 : i32
    return %arg0, %c0_i32 : i32, i32
  }
  func.func @transform_3(%arg0: i32) -> (i32, i32) {
    %c0_i32 = arith.constant 0 : i32
    %c0_i32_0 = arith.constant 0 : i32
    return %arg0, %c0_i32 : i32, i32
  }
  func.func @transform_4(%arg0: i32) -> (i32, i32) {
    %c0_i32 = arith.constant 0 : i32
    %c0_i32_0 = arith.constant 0 : i32
    %c0_i32_1 = arith.constant 0 : i32
    return %c0_i32, %c0_i32_0 : i32, i32
  }
  func.func @transform_5(%arg0: i32) -> (i32, i32) {
    %c0_i32 = arith.constant 0 : i32
    %c0_i32_0 = arith.constant 0 : i32
    %c0_i32_1 = arith.constant 0 : i32
    return %c0_i32, %c0_i32_0 : i32, i32
  }
  func.func @transform_6(%arg0: i32) -> (i32, i32) {
    %c0_i32 = arith.constant 0 : i32
    %c0_i32_0 = arith.constant 0 : i32
    %c0_i32_1 = arith.constant 0 : i32
    return %c0_i32, %c0_i32_0 : i32, i32
  }
  func.func @transform_7(%arg0: i32) -> (i32, i32) {
    %c0_i32 = arith.constant 0 : i32
    %c0_i32_0 = arith.constant 0 : i32
    %c0_i32_1 = arith.constant 0 : i32
    return %c0_i32, %c0_i32_0 : i32, i32
  }
  func.func @transform_8(%arg0: i32) -> (i32, i32, i32) {
    %c0_i32 = arith.constant 0 : i32
    %c0_i32_0 = arith.constant 0 : i32
    %c0_i32_1 = arith.constant 0 : i32
    return %arg0, %c0_i32, %c0_i32_0 : i32, i32, i32
  }
  func.func @transform_9(%arg0: i32) -> (i32, i32) {
    %c0_i32 = arith.constant 0 : i32
    %c0_i32_0 = arith.constant 0 : i32
    %c0_i32_1 = arith.constant 0 : i32
    return %c0_i32, %c0_i32_0 : i32, i32
  }
}

module attributes {stable_mosaic.version = 14 : i64} {
  func.func @_head_body(%arg0: memref<128x128xf32, #tpu.memory_space<vmem>>, %arg1: memref<128x128xf32, #tpu.memory_space<vmem>>, %arg2: memref<1x128xf32, #tpu.memory_space<vmem>>, %arg3: memref<128x64xf32, #tpu.memory_space<vmem>>, %arg4: memref<1x64xf32, #tpu.memory_space<vmem>>, %arg5: memref<128x64xf32, #tpu.memory_space<vmem>>) attributes {dimension_semantics = [], scalar_prefetch = 0 : i64, scratch_operands = 0 : i64, tpu.core_type = #tpu.core_type<tc>} {
    %get3A = arith.constant 0 : index
    %get3A_0 = arith.constant 0 : index
    %get3A_1 = vector.load %arg0[%get3A, %get3A_0] : memref<128x128xf32, #tpu.memory_space<vmem>>, vector<128x128xf32>
    %get3A_2 = arith.constant 0 : index
    %get3A_3 = arith.constant 0 : index
    %get3A_4 = vector.load %arg1[%get3A_2, %get3A_3] : memref<128x128xf32, #tpu.memory_space<vmem>>, vector<128x128xf32>
    %dot_general3A = arith.constant dense<0.000000e+00> : vector<128x128xf32>
    %dot_general3A_5 = tpu.matmul %get3A_1, %get3A_4, %dot_general3A {dimension_numbers = #tpu.dot_dimension_numbers<[1], [0], [0], [1], [0, 0, 1, 1], [], []>, transpose_lhs_hint = false} : vector<128x128xf32>, vector<128x128xf32>, vector<128x128xf32> -> vector<128x128xf32>
    %get3A_6 = arith.constant 0 : index
    %get3A_7 = arith.constant 0 : index
    %get3A_8 = vector.load %arg2[%get3A_6, %get3A_7] : memref<1x128xf32, #tpu.memory_space<vmem>>, vector<1x128xf32>
    %add3A = vector.broadcast %get3A_8 : vector<1x128xf32> to vector<128x128xf32>
    %add3A_9 = arith.addf %dot_general3A_5, %add3A : vector<128x128xf32>
    %max3A = arith.constant 0.000000e+00 : f32
    %max3A_10 = vector.broadcast %max3A : f32 to vector<128x128xf32>
    %max3A_11 = arith.maximumf %add3A_9, %max3A_10 : vector<128x128xf32>
    %get3A_12 = arith.constant 0 : index
    %get3A_13 = arith.constant 0 : index
    %get3A_14 = vector.load %arg3[%get3A_12, %get3A_13] : memref<128x64xf32, #tpu.memory_space<vmem>>, vector<128x64xf32>
    %dot_general3A_15 = arith.constant dense<0.000000e+00> : vector<128x64xf32>
    %dot_general3A_16 = tpu.matmul %max3A_11, %get3A_14, %dot_general3A_15 {dimension_numbers = #tpu.dot_dimension_numbers<[1], [0], [0], [1], [0, 0, 1, 1], [], []>, transpose_lhs_hint = false} : vector<128x128xf32>, vector<128x64xf32>, vector<128x64xf32> -> vector<128x64xf32>
    %get3A_17 = arith.constant 0 : index
    %get3A_18 = arith.constant 0 : index
    %get3A_19 = vector.load %arg4[%get3A_17, %get3A_18] : memref<1x64xf32, #tpu.memory_space<vmem>>, vector<1x64xf32>
    %add3A_20 = vector.broadcast %get3A_19 : vector<1x64xf32> to vector<128x64xf32>
    %add3A_21 = arith.addf %dot_general3A_16, %add3A_20 : vector<128x64xf32>
    %reduce_max3A = arith.constant dense<0xFF800000> : vector<128xf32>
    %reduce_max3A_22 = vector.multi_reduction <maximumf>, %add3A_21, %reduce_max3A [1] : vector<128x64xf32> to vector<128xf32>
    %broadcast_in_dim3A = vector.shape_cast %reduce_max3A_22 : vector<128xf32> to vector<128x1xf32>
    %sub3A = vector.broadcast %broadcast_in_dim3A : vector<128x1xf32> to vector<128x64xf32>
    %sub3A_23 = arith.subf %add3A_21, %sub3A : vector<128x64xf32>
    %exp3A = math.exp %sub3A_23 : vector<128x64xf32>
    %reduce_sum3A = arith.constant dense<0.000000e+00> : vector<128xf32>
    %reduce_sum3A_24 = vector.multi_reduction <add>, %exp3A, %reduce_sum3A [1] : vector<128x64xf32> to vector<128xf32>
    %broadcast_in_dim3A_25 = vector.shape_cast %reduce_sum3A_24 : vector<128xf32> to vector<128x1xf32>
    %log3A = math.log %broadcast_in_dim3A_25 : vector<128x1xf32>
    %add3A_26 = arith.addf %log3A, %broadcast_in_dim3A : vector<128x1xf32>
    %sub3A_27 = vector.broadcast %add3A_26 : vector<128x1xf32> to vector<128x64xf32>
    %sub3A_28 = arith.subf %add3A_21, %sub3A_27 : vector<128x64xf32>
    %swap3A = arith.constant 0 : index
    %swap3A_29 = arith.constant 0 : index
    %swap3A_30 = vector.load %arg5[%swap3A, %swap3A_29] : memref<128x64xf32, #tpu.memory_space<vmem>>, vector<128x64xf32>
    tpu.vector_store %arg5[%swap3A, %swap3A_29], %sub3A_28 {strides = array<i32>} : memref<128x64xf32, #tpu.memory_space<vmem>>, vector<128x64xf32>,
    return
  }
}

</mosaic_0001>

<sc_bundles>
// kernel: kernel.12.cloned.1.call-start
scs
__scs_entry_jumppad:
0x0: {  	(pc) =	sbr.rel $0x88, $3  }
0x1: {  	(tag) =	ssettag $0x0;
	lr =	simm.s32 $0x1  }
0x2: {  	[smem:$0x3F7D] =	sst lr;
	_ =	strace $0xD0000000  }
0x3: {  	_ = 	snop  }
0x4: {  	_ = 	snop  }
0x5: {  	_ = 	snop  }
0x6: {  	_ = 	snop  }
0x7: {  	_ = 	snop  }
__scs_overlays_trampoline_lowered:
0x8: {  	[smem:$0x3F8C] =	sst s0  }
0x9: {  	[smem:$0x3F8D] =	sst s1  }
0xa: {  	[smem:$0x3F8E] =	sst s2  }
0xb: {  	[smem:$0x3F8F] =	sst s3  }
0xc: {  	[smem:$0x3F90] =	sst s4  }
0xd: {  	[smem:$0x3F91] =	sst s5  }
0xe: {  	[smem:$0x3F92] =	sst s6  }
0xf: {  	[smem:$0x3F93] =	sst s7  }
0x10: {  	[smem:$0x3F94] =	sst s8  }
0x11: {  	[smem:$0x3F95] =	sst s9;
	s0 =	simm.s32 @!p0 $0x0  }
0x12: {  	s1 =	sld [smem:$0x3F7B];
	s0 =	simm.s32 @p0 $0x1  }
0x13: {  	[smem:$0x3F96] =	sst s0;
	s0 =	simm.s32 @!p1 $0x0  }
0x14: {  	s2 =	sld [smem:$0x3F7A];
	s0 =	simm.s32 @p1 $0x1  }
0x15: {  	[smem:$0x3F97] =	sst s0;
	s0 =	simm.s32 @!p2 $0x0  }
0x16: {  	s3 =	sld [smem:$0x3FDB];
	s0 =	simm.s32 @p2 $0x1  }
0x17: {  	s4 =	simm.s32 $0x1BF5;
	[smem:$0x3F99] =	sst s0  }
0x18: {  	s0 =	sld [smem:$0x3F7C];
	_ =	swait.ge [sflag:s4], $0x0  }
0x19: {  	s7 =	sld [smem:$0x3F7D]  }
0x1a: {  	s8 =	sadd.s32 $0xFFFFE003, lr  }
0x1b: {  	s9 =	sadd.s32 $0xFFFFFEF7, lr;
	s5 =	simm.s32 $0xFFFFFFFF;
	p2 =	slt.u32 s8, $0xFFFFF086  }
0x1c: {  	p1 =	slt.u32 s9, $0xF7A;
	s5 =	simm.s32 @!p2 $0x0  }
0x1d: {  	s5 =	simm.s32 @p1 $0x1;
	p0 =	seq.s32 s7, s2  }
0x1e: {  	s7 =	smul.u32 @!p0 $0xF7A, s2;
	p2 =	seq.s32 @!p0 s5, $0x0  }
0x1f: {  	s9 =	smul.u32 $0xF7A, s1;
	s8 =	simm.s32 @!p0 $0x1BF5;
	p2 =	por !p2, p0  }
0x20: {  	[sflag:s8] =	ssyncset.s32 @!p0 $0xFFFFF086;
	s6 =	sadd.s32 @!p0 s3, s7;
	s7 =	simm.s32 @!p0 $0x108  }
0x21: {  	s3 =	sadd.s32 s3, s9;
	s6 =	sadd.s32 @!p0 $0x88, s6;
	s7 =	simm.s32 @p2 $0x1082  }
0x22: {  	[simem:s7], [sflag:s8] =	dma.local @!p0 [hbm:s6], $0xF7A  }
0x23: {  	s9 =	sor.u32 $0xD0000000, s2;
	s6 =	simm.s32 $0x108;
	_ =	swait.ge @!p0 [sflag:s8], $0x0  }
0x24: {  	s3 =	sadd.s32 $0x88, s3;
	s6 =	simm.s32 @!p1 $0x1082;
	[sflag:s4] =	ssyncset.s32 $0xFFFFF086  }
0x25: {  	[simem:s6], [sflag:s4] =	dma.local [hbm:s3], $0xF7A  }
0x26: {  	[smem:$0x3F7D] =	sst s1;
	(tag) =	ssettag s2;
	_ =	strace s9  }
0x27: {  	s1 =	sld [smem:$0x3F8D]  }
0x28: {  	s2 =	sld [smem:$0x3F8E]  }
0x29: {  	s4 =	sld [smem:$0x3F90]  }
0x2a: {  	p0 =	seq.s32 s5, $0x0;
	s5 =	sld [smem:$0x3F91]  }
0x2b: {  	s6 =	sld [smem:$0x3F92]  }
0x2c: {  	s7 =	sld [smem:$0x3F93]  }
0x2d: {  	s3 =	simm.s32 $0x108;
	s8 =	sld [smem:$0x3F94]  }
0x2e: {  	s3 =	simm.s32 @!p0 $0x1082;
	s9 =	sld [smem:$0x3F95]  }
0x2f: {  	lr =	sadd.s32 s0, s3;
	s0 =	sld [smem:$0x3F8C]  }
0x30: {  	s3 =	sld [smem:$0x3F8F]  }
0x31: {  	[smem:$0x3F98] =	sst s10  }
0x32: {  	s10 =	sld [smem:$0x3F96];
	_ =	sdelay $0x3  }
0x33: {  	p0 =	seq.s32 s10, $0x1;
	s10 =	sld [smem:$0x3F98];
	_ =	sdelay $0x3  }
0x34: {  	[smem:$0x3F98] =	sst s10  }
0x35: {  	s10 =	sld [smem:$0x3F97];
	_ =	sdelay $0x3  }
0x36: {  	p1 =	seq.s32 s10, $0x1;
	s10 =	sld [smem:$0x3F98];
	_ =	sdelay $0x3  }
0x37: {  	[smem:$0x3F98] =	sst s10  }
0x38: {  	s10 =	sld [smem:$0x3F99]  }
0x39: {  	_ = 	snop;
	(pc) =	sbr.ind lr, $3  }
0x3a: {  	_ = 	snop  }
0x3b: {  	_ = 	snop  }
0x3c: {  	p2 =	seq.s32 s10, $0x1;
	s10 =	sld [smem:$0x3F98]  }
0x3d: {  	_ =	shalt  }
0x3e: {  	_ =	shalt  }
0x3f: {  	_ =	shalt  }
0x40: {  	_ =	shalt  }
0x41: {  	_ =	shalt  }
0x42: {  	_ =	shalt  }
0x43: {  	_ =	shalt  }
0x44: {  	_ =	shalt  }
0x45: {  	_ =	shalt  }
0x46: {  	_ =	shalt  }
0x47: {  	_ =	shalt  }
0x48: {  	_ =	shalt  }
0x49: {  	_ =	shalt  }
0x4a: {  	_ =	shalt  }
0x4b: {  	_ =	shalt  }
0x4c: {  	_ =	shalt  }
0x4d: {  	_ =	shalt  }
0x4e: {  	_ =	shalt  }
0x4f: {  	_ =	shalt  }
0x50: {  	_ =	shalt  }
0x51: {  	_ =	shalt  }
0x52: {  	_ =	shalt  }
0x53: {  	_ =	shalt  }
0x54: {  	_ =	shalt  }
0x55: {  	_ =	shalt  }
0x56: {  	_ =	shalt  }
0x57: {  	_ =	shalt  }
0x58: {  	_ =	shalt  }
0x59: {  	_ =	shalt  }
0x5a: {  	_ =	shalt  }
0x5b: {  	_ =	shalt  }
0x5c: {  	_ =	shalt  }
0x5d: {  	_ =	shalt  }
0x5e: {  	_ =	shalt  }
0x5f: {  	_ =	shalt  }
0x60: {  	_ =	shalt  }
0x61: {  	_ =	shalt  }
0x62: {  	_ =	shalt  }
0x63: {  	_ =	shalt  }
0x64: {  	_ =	shalt  }
0x65: {  	_ =	shalt  }
0x66: {  	_ =	shalt  }
0x67: {  	_ =	shalt  }
0x68: {  	_ =	shalt  }
0x69: {  	_ =	shalt  }
0x6a: {  	_ =	shalt  }
0x6b: {  	_ =	shalt  }
0x6c: {  	_ =	shalt  }
0x6d: {  	_ =	shalt  }
0x6e: {  	_ =	shalt  }
0x6f: {  	_ =	shalt  }
0x70: {  	_ =	shalt  }
0x71: {  	_ =	shalt  }
0x72: {  	_ =	shalt  }
0x73: {  	_ =	shalt  }
0x74: {  	_ =	shalt  }
0x75: {  	_ =	shalt  }
0x76: {  	_ =	shalt  }
0x77: {  	_ =	shalt  }
0x78: {  	_ =	shalt  }
0x79: {  	_ =	shalt  }
0x7a: {  	_ =	shalt  }
0x7b: {  	_ =	shalt  }
0x7c: {  	_ =	shalt  }
0x7d: {  	_ =	shalt  }
0x7e: {  	_ =	shalt  }
0x7f: {  	_ =	shalt  }
0x80: {  	_ =	shalt  }
0x81: {  	_ =	shalt  }
0x82: {  	_ =	shalt  }
0x83: {  	_ =	shalt  }
0x84: {  	_ =	shalt  }
0x85: {  	_ =	shalt  }
0x86: {  	_ =	shalt  }
0x87: {  	_ =	shalt  }
.Lfunc_end0:
.L_simem_size_0:
called_computation.1_lowered:
.L_overlay_start_0:
0x88: {  	s2 =	sld [smem:$0x3FD9]  }
0x89: {  	s3 =	sld [smem:$0x3FFE];
	_ =	sdelay $0x1  }
0x8a: {  	s1 =	srdreg.scid  }
0x8b: {  	s0 =	sand.u32 $0x1, s1  }
0x8c: {  	s16 =	sshll.u32 s0, $0xA;
	s2 =	sadd.s32 s3, s2  }
0x8d: {  	s2 =	sadd.s32 s2, s16  }
0x8e: {  	[smem:$0x3FA4] =	sst s2  }
0x8f: {  	_ = 	snop  }
0x90: {  	(tm) =	ssettm $0x1  }
0x91: {  	s17 =	sld [smem:$0x3FFB];
	_ =	sdelay $0x3  }
0x92: {  	_ =	strace s17  }
0x93: {  	s2 =	sld [smem:$0x3FFC];
	_ =	sdelay $0x3  }
0x94: {  	_ =	strace s2  }
0x95: {  	s2 =	sld [smem:$0x3FFD];
	_ =	sdelay $0x3  }
0x96: {  	_ =	strace s2  }
0x97: {  	_ =	strace $0x8FFFFFFF  }
0x98: {  	s18 =	sld [smem:$0x3FDB];
	_ =	sdelay $0x1  }
0x99: {  	s19 =	simm.s32 $_scs_section_size  }
0x9a: {  	s4 =	simm.s32 $_size__tile_overlayer_lowered;
	s5 =	simm.s32 $_tile_overlayer_lowered  }
0x9b: {  	s22 =	simm.s32 $0x1BFF;
	s21 =	sshll.u32 s5, $0x1;
	s2 =	sadd.s32 s19, s18  }
0x9c: {  	s6 =	simm.s32 $0x0;
	s20 =	sshll.u32 s4, $0x1;
	s4 =	sadd.s32 s21, s2  }
0x9d: {  	[timem:s6], [sflag:s22] =	dma.local [hbm:s4], s20  }
0x9e: {  	_ =	swait.ge [sflag:s22], s20  }
0x9f: {  	s3 =	ssub.s32 $0x0, s20;
	[sflag:s22] =	ssyncset.done $0x0  }
0xa0: {  	[sflag:s22] =	ssyncadd.s32 s3;
	_ =	sdelay $0x1  }
0xa1: {  	s23 =	simm.s32 $0x1B8B  }
0xa2: {  	_ =	swait.ge [sflag:s23], $0x1  }
0xa3: {  	[sflag:s23] =	ssyncset.done $0x0  }
0xa4: {  	s25 =	simm.s32 $0x1B8E;
	s24 =	sld [smem:$0x3FFE];
	[sflag:s23] =	ssyncadd.s32 $0xFFFFFFFF  }
0xa5: {  	s26 =	simm.s32 $execute0_lowered;
	[smem:$0x3FD2] =	sst s25  }
0xa6: {  	s4 =	sshll.u32 s26, $0x1;
	_ =	strace $0x80000049;
	[dreg:$0x1] =	wrdreg $0xFFFFFFFF  }
0xa7: {  	s28 =	simm.s32 $_size_execute0_lowered;
	s2 =	sadd.s32 s2, s4;
	[dreg:$0x0] =	wrdreg $0x0  }
0xa8: {  	s4 =	sshll.u32 s28, $0x1;
	[dreg:$0x2] =	wrdreg s2  }
0xa9: {  	[dreg:$0x3] =	wrdreg s4  }
0xaa: {  	[dreg:$0x4] =	wrdreg $0xC0  }
0xab: {  	_ =	task [dreg:s6], $0x5FFFF  }
0xac: {  	[dreg:$0x1] =	wrdreg $0xFFFFFFFF  }
0xad: {  	[dreg:$0x0] =	wrdreg $0x60  }
0xae: {  	[dreg:$0x2] =	wrdreg s24  }
0xaf: {  	[dreg:$0x3] =	wrdreg $0x0  }
0xb0: {  	[dreg:$0x4] =	wrdreg $0x9  }
0xb1: {  	_ =	task.clear_ibuf [dreg:s6], $0x5FFFF;
	_ =	strace $0x90000049  }
0xb2: {  	s29 =	simm.s32 $0x9;
	_ =	strace $0x8000004B  }
0xb3: {  	_ =	swait.ge [sflag:s29], $0x1  }
0xb4: {  	[sflag:s29] =	ssyncadd.s32 $0xFFFFFFFF  }
0xb5: {  	_ =	strace $0x9000004B  }
0xb6: {  	_ =	sfence  }
0xb7: {  	s30 =	sld [smem:$0x0];
	_ =	sdelay $0x2  }
0xb8: {  	s31 =	sshll.u32 s1, $0xD;
	s1 =	sshrl.u32 s1, $0x2  }
0xb9: {  	s3 =	sand.u32 $0x4000, s31;
	s1 =	sadd.s32 s1, s30  }
0xba: {  	s0 =	sor.u32 s3, s0;
	s1 =	sshll.u32 s1, $0x11  }
0xbb: {  	s0 =	sor.u32 s1, s0  }
0xbc: {  	s0 =	sadd.s32 $0x8F2B, s0  }
0xbd: {  	[sflag:s0] =	ssyncadd.remote.s32 $0x1  }
0xbe: {  	_ =	sfence.sel $0xFFFF  }
0xbf: {  	[dreg:$0x0] =	wrdreg $0xFFFFFFFF;
	(pc) =	sbr.abs _section_cstart, $3  }
0xc0: {  	[dreg:$0x1] =	wrdreg $0xFFFFFFFF  }
0xc1: {  	_ =	task.clear_ibuf [dreg:s6], $0x2FFFF;
	_ =	strace $0x9FFFFFFF  }
0xc2: {  	(tm) =	ssettm $0x7FFFFFFF  }
0xc3: {  	_ =	shalt  }
tec
execute0_lowered:
.L_overlay_start_1:
0x0: {  	(tag) =	ssettag $0x1  }
0x1: {  	s5 =	rddreg [dreg:$0x0]  }
0x2: {  	s0 =	srdreg.scid;
	s2 =	rddreg [dreg:$0x1];
	s3 =	simm.s32 $0x0  }
0x3: {  	s14 =	simm.s32 $0x13C00;
	s15 =	simm.s32 $0x1;
	s16 =	simm.s32 $0x16400  }
0x4: {  	s17 =	simm.s32 $0x18C00;
	s18 =	simm.s32 $0x80;
	s4 =	sand.u32 $0x1, s0  }
0x5: {  	s21 =	simm.s32 $0x0;
	s0 =	stileid.u32;
	s7 =	smul.u32 $0x13C000, s4  }
0x6: {  	[smem:$0x7FF] =	sst s3;
	s1 =	sshll.u32 s4, $0x4;
	s8 =	smul.u32 $0x13C00, s0  }
0x7: {  	s30 =	ssub.s32 $0x2, s4;
	s9 =	smul.u32 $0x4F000, s0;
	s4 =	sadd.s32 $0x1B400, s5  }
0x8: {  	s19 =	sshll.u32 s0, $0x6;
	s1 =	sor.u32 s0, s1;
	s10 =	sshrl.u32 s30, $0x1  }
0x9: {  	s19 =	sor.u32 $0x1C01, s19;
	s6 =	smul.u32 $0x2800, s1;
	s1 =	rddreg [dreg:$0x2]  }
0xa: {  	_ =	strace $0x8000004A;
	s7 =	sadd.s32 s8, s7;
	s13 =	ssub.s32 s30, s10  }
0xb: {  	s31 =	sshrl.u32 s9, $0x2;
	s7 =	sshrl.u32 s7, $0x3;
	s13 =	smax.u32 s13, $0x1  }
0xc: {  	s6 =	sshrl.u32 s6, $0x3;
	s12 =	sadd.s32 s7, s5;
	s7 =	sadd.s32 s31, s2  }
0xd: {  	s6 =	sadd.s32 s6, s5;
	s8 =	sadd.s32 $0x4000, s7;
	s9 =	sadd.s32 $0x8000, s7  }
0xe: {  	s10 =	sadd.s32 $0xC000, s7;
	s11 =	sadd.s32 $0x10000, s7;
	s12 =	sadd.s32 $0x42600, s12  }
0xf: {  	v0 =	vimm.f32 $0.0e+00;
	s20 =	sshrl.u32 s7, $0x3;
	s5 =	sadd.s32 $0x7400, s6;
	s6 =	sadd.s32 $0x11400, s6  }
.LBB2_1:
0x10: {  	[tilespmem:s14], [sflag:$0x1] =	stream.linear.gather [hbm4b:s5+s3], $0x2780, $0x38;
	[tilespmem:$0x1CC00] =	vst v63  }
0x11: {  	_ =	swait.ge [sflag:s15], $0x2780  }
0x12: {  	[sflag:s15] =	ssyncset.done $0x0  }
0x13: {  	[sflag:s15] =	ssyncadd.s32 $0xFFFFD880  }
0x14: {  	[tilespmem:s16], [sflag:$0x1] =	stream.linear.gather [hbm4b:s6+s3], $0x2780, $0x38;
	[tilespmem:$0x1CC00] =	vst v63  }
0x15: {  	_ =	swait.ge [sflag:s15], $0x2780  }
0x16: {  	[sflag:s15] =	ssyncset.done $0x0  }
0x17: {  	s22 =	simm.s32 $0x0;
	s23 =	simm.s32 $0x200;
	[sflag:s15] =	ssyncadd.s32 $0xFFFFD880  }
.LBB2_2:
0x18: {  	p0 =	sne.s32 s23, $0xFE00;
	[tilespmem:s22+$0x18C70] =	vst v0  }
0x19: {  	[tilespmem:s22+$0x18C00] =	vst v0  }
0x1a: {  	[tilespmem:s22+$0x18C10] =	vst v0  }
.Ltmp0:
0x1b: {  	[tilespmem:s22+$0x18C20] =	vst v0;
	(pc) =	sbr.rel @p0 .LBB2_2-.Ltmp0, $4  }
0x1c: {  	[tilespmem:s22+$0x18C30] =	vst v0  }
0x1d: {  	[tilespmem:s22+$0x18C40] =	vst v0  }
0x1e: {  	[tilespmem:s22+$0x18C50] =	vst v0  }
0x1f: {  	[tilespmem:s22+$0x18C60] =	vst v0;
	s22 =	sshra.s32 s23, $0x2;
	s23 =	sadd.s32 $0x200, s23  }
0x20: {  	[tilespmem:s22+$0x18C70] =	vst v0  }
0x21: {  	[tilespmem:s22+$0x18C00] =	vst v0  }
0x22: {  	[tilespmem:s22+$0x18C10] =	vst v0  }
0x23: {  	[tilespmem:s22+$0x18C20] =	vst v0  }
0x24: {  	[tilespmem:s22+$0x18C30] =	vst v0  }
0x25: {  	[tilespmem:s22+$0x18C40] =	vst v0  }
0x26: {  	[tilespmem:s22+$0x18C50] =	vst v0  }
0x27: {  	[tilespmem:s22+$0x18C60] =	vst v0  }
0x28: {  	[spmem:s7] =	stream.linear.scatter [tilespmem:s17], [sflag:$0x1], $0x4000, $0x38;
	[tilespmem:$0x1CC00] =	vst v63  }
0x29: {  	_ =	swait.ge [sflag:s15], $0x4000  }
0x2a: {  	[sflag:s15] =	ssyncset.done $0x0  }
0x2b: {  	[sflag:s15] =	ssyncadd.s32 $0xFFFFC000  }
0x2c: {  	[spmem:s8] =	stream.linear.scatter [tilespmem:s17], [sflag:$0x1], $0x4000, $0x38;
	[tilespmem:$0x1CC00] =	vst v63  }
0x2d: {  	_ =	swait.ge [sflag:s15], $0x4000  }
0x2e: {  	[sflag:s15] =	ssyncset.done $0x0  }
0x2f: {  	[sflag:s15] =	ssyncadd.s32 $0xFFFFC000  }
0x30: {  	[spmem:s9] =	stream.linear.scatter [tilespmem:s17], [sflag:$0x1], $0x4000, $0x38;
	[tilespmem:$0x1CC00] =	vst v63  }
0x31: {  	_ =	swait.ge [sflag:s15], $0x4000  }
0x32: {  	[sflag:s15] =	ssyncset.done $0x0  }
0x33: {  	[sflag:s15] =	ssyncadd.s32 $0xFFFFC000  }
0x34: {  	[spmem:s10] =	stream.linear.scatter [tilespmem:s17], [sflag:$0x1], $0x4000, $0x38;
	[tilespmem:$0x1CC00] =	vst v63  }
0x35: {  	_ =	swait.ge [sflag:s15], $0x4000  }
0x36: {  	[sflag:s15] =	ssyncset.done $0x0  }
0x37: {  	[sflag:s15] =	ssyncadd.s32 $0xFFFFC000  }
0x38: {  	[spmem:s11] =	stream.linear.scatter [tilespmem:s17], [sflag:$0x1], $0x3C00, $0x38;
	[tilespmem:$0x1CC00] =	vst v63  }
0x39: {  	_ =	swait.ge [sflag:s15], $0x3C00  }
0x3a: {  	[sflag:s15] =	ssyncset.done $0x0  }
0x3b: {  	[sflag:s15] =	ssyncadd.s32 $0xFFFFC400  }
0x3c: {  	s30 =	simm.s32 $0x13C00;
	[bflag:$0x0] =	sbarrier.arrive $0xFFFF  }
0x3d: {  	[tilespmem:s17], [sflag:$0x1] =	stream.indirect.gather [hbm4b:s4+s18], $0x80, s30, s18, $0xb8;
	[tilespmem:$0x1CC00] =	vst v63  }
0x3e: {  	_ =	swait.ge [sflag:s15], $0x4000  }
0x3f: {  	[sflag:s15] =	ssyncset.done $0x0  }
0x40: {  	s31 =	simm.s32 $0x16400;
	[sflag:s15] =	ssyncadd.s32 $0xFFFFC000  }
0x41: {  	[spmem:s2] =	stream.indirect.scatter.add.f32 [tilespmem:s17], [sflag:$0x1], $0x80, s31, s18, $0xb8;
	[tilespmem:$0x1CC00] =	vst v63  }
0x42: {  	_ =	swait.ge [sflag:s15], $0x4000  }
0x43: {  	s23 =	simm.s32 $0x400;
	s22 =	simm.s32 $0x80;
	[sflag:s15] =	ssyncset.done $0x0  }
.LBB2_4:
0x44: {  	s24 =	sadd.s32 $0x13C00, s22  }
0x45: {  	[sflag:s15] =	ssyncadd.s32 $0xFFFFC000;
	s25 =	smov.u32 s23;
	s26 =	sadd.s32 $0x200, s23  }
0x46: {  	[tilespmem:s17], [sflag:$0x1] =	stream.indirect.gather [hbm4b:s4+s18], $0x80, s24, s18, $0xb8;
	[tilespmem:$0x1CC00] =	vst v63  }
0x47: {  	p0 =	sne.s32 s23, $0x9C00;
	_ =	swait.ge [sflag:s15], $0x4000  }
.Ltmp1:
0x48: {  	[sflag:s15] =	ssyncset.done $0x0;
	(pc) =	sbr.rel @p0 .LBB2_4-.Ltmp1, $4  }
0x49: {  	s22 =	sadd.s32 $0x16400, s22;
	[sflag:s15] =	ssyncadd.s32 $0xFFFFC000  }
0x4a: {  	[spmem:s2] =	stream.indirect.scatter.add.f32 [tilespmem:s17], [sflag:$0x1], $0x80, s22, s18, $0xb8;
	[tilespmem:$0x1CC00] =	vst v63  }
0x4b: {  	_ =	swait.ge [sflag:s15], $0x4000  }
0x4c: {  	s23 =	smov.u32 s26;
	s22 =	sshra.s32 s25, $0x2;
	[sflag:s15] =	ssyncset.done $0x0  }
0x4d: {  	s23 =	sadd.s32 $0x13C00, s22;
	[sflag:s15] =	ssyncadd.s32 $0xFFFFC000  }
0x4e: {  	[tilespmem:s17], [sflag:$0x1] =	stream.indirect.gather [hbm4b:s4+s18], $0x80, s23, s18, $0xb8;
	[tilespmem:$0x1CC00] =	vst v63  }
0x4f: {  	_ =	swait.ge [sflag:s15], $0x4000  }
0x50: {  	[sflag:s15] =	ssyncset.done $0x0  }
0x51: {  	s31 =	sadd.s32 $0x16400, s22;
	[sflag:s15] =	ssyncadd.s32 $0xFFFFC000  }
0x52: {  	[spmem:s2] =	stream.indirect.scatter.add.f32 [tilespmem:s17], [sflag:$0x1], $0x80, s31, s18, $0xb8;
	[tilespmem:$0x1CC00] =	vst v63  }
0x53: {  	_ =	swait.ge [sflag:s15], $0x4000  }
0x54: {  	s21 =	sadd.s32 $0x1, s21;
	[sflag:s15] =	ssyncset.done $0x0  }
0x55: {  	p0 =	sne.s32 s21, s13;
	[sflag:s15] =	ssyncadd.s32 $0xFFFFC000  }
.Ltmp2:
0x56: {  	[bflag:$0x0] =	sbarrier.arrive $0xFFFF;
	(pc) =	sbr.rel @p0 .LBB2_1-.Ltmp2, $4  }
0x57: {  	[hbm:s12], [sflag:s19] =	dma.local [spmem:s20], $0x2780  }
0x58: {  	_ =	swait.ge [sflag:s15], $0x2780  }
0x59: {  	[sflag:s15] =	ssyncset.done $0x0  }
0x5a: {  	[sflag:s15] =	ssyncadd.s32 $0xFFFFD880  }
0x5b: {  	_ =	sfence.sel $0x180000  }
0x5c: {  	[bflag:$0x0] =	sbarrier.arrive $0xFFFF  }
0x5d: {  	p0 =	sne.s32 s0, $0x0;
	_ =	strace $0x9000004A  }
0x5e: {  	s0 =	sadd.s32 @!p0 $0x100000, s1;
	[bflag:$0x2] =	sbarrier.arrive $0xFFFF  }
0x5f: {  	[sflag:s0] =	ssyncadd.tile.s32 @!p0 $0x1;
	_ =	shalt  }
.Lfunc_end2:
_tile_overlayer_lowered:
.L_overlay_start_2:
0x60: {  	(tag) =	ssettag $0x2  }
0x61: {  	s0 =	rddreg [dreg:$0x0];
	s2 =	stileid.u32  }
0x62: {  	s1 =	rddreg [dreg:$0x1];
	p0 =	sne.s32 s2, $0x0  }
0x63: {  	s3 =	rddreg [dreg:$0x2];
	[bflag:$0x3] =	sbarrier.arrive $0xFFFF;
	s2 =	simm.s32 @!p0 $0x1C01  }
0x64: {  	[timem:s3], [sflag:s2] =	dma.local @!p0 [hbm:s0], s1  }
0x65: {  	s0 =	simm.s32 @!p0 $0x1  }
0x66: {  	_ =	swait.ge @!p0 [sflag:s0], s1  }
0x67: {  	s1 =	ssub.s32 @!p0 $0x0, s1;
	[sflag:s0] =	ssyncset.done @!p0 $0x0  }
0x68: {  	[sflag:s0] =	ssyncadd.s32 @!p0 s1  }
0x69: {  	[bflag:$0x3] =	sbarrier.arrive $0xFFFF  }
0x6a: {  	_ =	shalt  }

// kernel: kernel.15.cloned.1.call-start
scs
__scs_entry_jumppad:
0x0: {  	(pc) =	sbr.rel $0x88, $3  }
0x1: {  	(tag) =	ssettag $0x0;
	lr =	simm.s32 $0x1  }
0x2: {  	[smem:$0x3F7D] =	sst lr;
	_ =	strace $0xD0000000  }
0x3: {  	_ = 	snop  }
0x4: {  	_ = 	snop  }
0x5: {  	_ = 	snop  }
0x6: {  	_ = 	snop  }
0x7: {  	_ = 	snop  }
__scs_overlays_trampoline_lowered:
0x8: {  	[smem:$0x3F8C] =	sst s0  }
0x9: {  	[smem:$0x3F8D] =	sst s1  }
0xa: {  	[smem:$0x3F8E] =	sst s2  }
0xb: {  	[smem:$0x3F8F] =	sst s3  }
0xc: {  	[smem:$0x3F90] =	sst s4  }
0xd: {  	[smem:$0x3F91] =	sst s5  }
0xe: {  	[smem:$0x3F92] =	sst s6  }
0xf: {  	[smem:$0x3F93] =	sst s7  }
0x10: {  	[smem:$0x3F94] =	sst s8  }
0x11: {  	[smem:$0x3F95] =	sst s9;
	s0 =	simm.s32 @!p0 $0x0  }
0x12: {  	s1 =	sld [smem:$0x3F7B];
	s0 =	simm.s32 @p0 $0x1  }
0x13: {  	[smem:$0x3F96] =	sst s0;
	s0 =	simm.s32 @!p1 $0x0  }
0x14: {  	s2 =	sld [smem:$0x3F7A];
	s0 =	simm.s32 @p1 $0x1  }
0x15: {  	[smem:$0x3F97] =	sst s0;
	s0 =	simm.s32 @!p2 $0x0  }
0x16: {  	s3 =	sld [smem:$0x3FDB];
	s0 =	simm.s32 @p2 $0x1  }
0x17: {  	s4 =	simm.s32 $0x1BF5;
	[smem:$0x3F99] =	sst s0  }
0x18: {  	s0 =	sld [smem:$0x3F7C];
	_ =	swait.ge [sflag:s4], $0x0  }
0x19: {  	s7 =	sld [smem:$0x3F7D]  }
0x1a: {  	s8 =	sadd.s32 $0xFFFFE003, lr  }
0x1b: {  	s9 =	sadd.s32 $0xFFFFFEF7, lr;
	s5 =	simm.s32 $0xFFFFFFFF;
	p2 =	slt.u32 s8, $0xFFFFF086  }
0x1c: {  	p1 =	slt.u32 s9, $0xF7A;
	s5 =	simm.s32 @!p2 $0x0  }
0x1d: {  	s5 =	simm.s32 @p1 $0x1;
	p0 =	seq.s32 s7, s2  }
0x1e: {  	s7 =	smul.u32 @!p0 $0xF7A, s2;
	p2 =	seq.s32 @!p0 s5, $0x0  }
0x1f: {  	s9 =	smul.u32 $0xF7A, s1;
	s8 =	simm.s32 @!p0 $0x1BF5;
	p2 =	por !p2, p0  }
0x20: {  	[sflag:s8] =	ssyncset.s32 @!p0 $0xFFFFF086;
	s6 =	sadd.s32 @!p0 s3, s7;
	s7 =	simm.s32 @!p0 $0x108  }
0x21: {  	s3 =	sadd.s32 s3, s9;
	s6 =	sadd.s32 @!p0 $0x88, s6;
	s7 =	simm.s32 @p2 $0x1082  }
0x22: {  	[simem:s7], [sflag:s8] =	dma.local @!p0 [hbm:s6], $0xF7A  }
0x23: {  	s9 =	sor.u32 $0xD0000000, s2;
	s6 =	simm.s32 $0x108;
	_ =	swait.ge @!p0 [sflag:s8], $0x0  }
0x24: {  	s3 =	sadd.s32 $0x88, s3;
	s6 =	simm.s32 @!p1 $0x1082;
	[sflag:s4] =	ssyncset.s32 $0xFFFFF086  }
0x25: {  	[simem:s6], [sflag:s4] =	dma.local [hbm:s3], $0xF7A  }
0x26: {  	[smem:$0x3F7D] =	sst s1;
	(tag) =	ssettag s2;
	_ =	strace s9  }
0x27: {  	s1 =	sld [smem:$0x3F8D]  }
0x28: {  	s2 =	sld [smem:$0x3F8E]  }
0x29: {  	s4 =	sld [smem:$0x3F90]  }
0x2a: {  	p0 =	seq.s32 s5, $0x0;
	s5 =	sld [smem:$0x3F91]  }
0x2b: {  	s6 =	sld [smem:$0x3F92]  }
0x2c: {  	s7 =	sld [smem:$0x3F93]  }
0x2d: {  	s3 =	simm.s32 $0x108;
	s8 =	sld [smem:$0x3F94]  }
0x2e: {  	s3 =	simm.s32 @!p0 $0x1082;
	s9 =	sld [smem:$0x3F95]  }
0x2f: {  	lr =	sadd.s32 s0, s3;
	s0 =	sld [smem:$0x3F8C]  }
0x30: {  	s3 =	sld [smem:$0x3F8F]  }
0x31: {  	[smem:$0x3F98] =	sst s10  }
0x32: {  	s10 =	sld [smem:$0x3F96];
	_ =	sdelay $0x3  }
0x33: {  	p0 =	seq.s32 s10, $0x1;
	s10 =	sld [smem:$0x3F98];
	_ =	sdelay $0x3  }
0x34: {  	[smem:$0x3F98] =	sst s10  }
0x35: {  	s10 =	sld [smem:$0x3F97];
	_ =	sdelay $0x3  }
0x36: {  	p1 =	seq.s32 s10, $0x1;
	s10 =	sld [smem:$0x3F98];
	_ =	sdelay $0x3  }
0x37: {  	[smem:$0x3F98] =	sst s10  }
0x38: {  	s10 =	sld [smem:$0x3F99]  }
0x39: {  	_ = 	snop;
	(pc) =	sbr.ind lr, $3  }
0x3a: {  	_ = 	snop  }
0x3b: {  	_ = 	snop  }
0x3c: {  	p2 =	seq.s32 s10, $0x1;
	s10 =	sld [smem:$0x3F98]  }
0x3d: {  	_ =	shalt  }
0x3e: {  	_ =	shalt  }
0x3f: {  	_ =	shalt  }
0x40: {  	_ =	shalt  }
0x41: {  	_ =	shalt  }
0x42: {  	_ =	shalt  }
0x43: {  	_ =	shalt  }
0x44: {  	_ =	shalt  }
0x45: {  	_ =	shalt  }
0x46: {  	_ =	shalt  }
0x47: {  	_ =	shalt  }
0x48: {  	_ =	shalt  }
0x49: {  	_ =	shalt  }
0x4a: {  	_ =	shalt  }
0x4b: {  	_ =	shalt  }
0x4c: {  	_ =	shalt  }
0x4d: {  	_ =	shalt  }
0x4e: {  	_ =	shalt  }
0x4f: {  	_ =	shalt  }
0x50: {  	_ =	shalt  }
0x51: {  	_ =	shalt  }
0x52: {  	_ =	shalt  }
0x53: {  	_ =	shalt  }
0x54: {  	_ =	shalt  }
0x55: {  	_ =	shalt  }
0x56: {  	_ =	shalt  }
0x57: {  	_ =	shalt  }
0x58: {  	_ =	shalt  }
0x59: {  	_ =	shalt  }
0x5a: {  	_ =	shalt  }
0x5b: {  	_ =	shalt  }
0x5c: {  	_ =	shalt  }
0x5d: {  	_ =	shalt  }
0x5e: {  	_ =	shalt  }
0x5f: {  	_ =	shalt  }
0x60: {  	_ =	shalt  }
0x61: {  	_ =	shalt  }
0x62: {  	_ =	shalt  }
0x63: {  	_ =	shalt  }
0x64: {  	_ =	shalt  }
0x65: {  	_ =	shalt  }
0x66: {  	_ =	shalt  }
0x67: {  	_ =	shalt  }
0x68: {  	_ =	shalt  }
0x69: {  	_ =	shalt  }
0x6a: {  	_ =	shalt  }
0x6b: {  	_ =	shalt  }
0x6c: {  	_ =	shalt  }
0x6d: {  	_ =	shalt  }
0x6e: {  	_ =	shalt  }
0x6f: {  	_ =	shalt  }
0x70: {  	_ =	shalt  }
0x71: {  	_ =	shalt  }
0x72: {  	_ =	shalt  }
0x73: {  	_ =	shalt  }
0x74: {  	_ =	shalt  }
0x75: {  	_ =	shalt  }
0x76: {  	_ =	shalt  }
0x77: {  	_ =	shalt  }
0x78: {  	_ =	shalt  }
0x79: {  	_ =	shalt  }
0x7a: {  	_ =	shalt  }
0x7b: {  	_ =	shalt  }
0x7c: {  	_ =	shalt  }
0x7d: {  	_ =	shalt  }
0x7e: {  	_ =	shalt  }
0x7f: {  	_ =	shalt  }
0x80: {  	_ =	shalt  }
0x81: {  	_ =	shalt  }
0x82: {  	_ =	shalt  }
0x83: {  	_ =	shalt  }
0x84: {  	_ =	shalt  }
0x85: {  	_ =	shalt  }
0x86: {  	_ =	shalt  }
0x87: {  	_ =	shalt  }
.Lfunc_end0:
.L_simem_size_0:
called_computation.2_lowered:
.L_overlay_start_0:
0x88: {  	s2 =	sld [smem:$0x3FD9]  }
0x89: {  	s3 =	sld [smem:$0x3FFE];
	_ =	sdelay $0x1  }
0x8a: {  	s1 =	srdreg.scid  }
0x8b: {  	s0 =	sand.u32 $0x1, s1  }
0x8c: {  	s16 =	sshll.u32 s0, $0xA;
	s2 =	sadd.s32 s3, s2  }
0x8d: {  	s2 =	sadd.s32 s2, s16  }
0x8e: {  	[smem:$0x3FA4] =	sst s2  }
0x8f: {  	_ = 	snop  }
0x90: {  	(tm) =	ssettm $0x1  }
0x91: {  	s17 =	sld [smem:$0x3FFB];
	_ =	sdelay $0x3  }
0x92: {  	_ =	strace s17  }
0x93: {  	s2 =	sld [smem:$0x3FFC];
	_ =	sdelay $0x3  }
0x94: {  	_ =	strace s2  }
0x95: {  	s2 =	sld [smem:$0x3FFD];
	_ =	sdelay $0x3  }
0x96: {  	_ =	strace s2  }
0x97: {  	_ =	strace $0x8FFFFFFF  }
0x98: {  	s18 =	sld [smem:$0x3FDB];
	_ =	sdelay $0x1  }
0x99: {  	s19 =	simm.s32 $_scs_section_size  }
0x9a: {  	s4 =	simm.s32 $_size__tile_overlayer_lowered;
	s5 =	simm.s32 $_tile_overlayer_lowered  }
0x9b: {  	s22 =	simm.s32 $0x1BFF;
	s21 =	sshll.u32 s5, $0x1;
	s2 =	sadd.s32 s19, s18  }
0x9c: {  	s6 =	simm.s32 $0x0;
	s20 =	sshll.u32 s4, $0x1;
	s4 =	sadd.s32 s21, s2  }
0x9d: {  	[timem:s6], [sflag:s22] =	dma.local [hbm:s4], s20  }
0x9e: {  	_ =	swait.ge [sflag:s22], s20  }
0x9f: {  	s3 =	ssub.s32 $0x0, s20;
	[sflag:s22] =	ssyncset.done $0x0  }
0xa0: {  	[sflag:s22] =	ssyncadd.s32 s3;
	_ =	sdelay $0x1  }
0xa1: {  	s23 =	simm.s32 $0x1B8B  }
0xa2: {  	_ =	swait.ge [sflag:s23], $0x1  }
0xa3: {  	[sflag:s23] =	ssyncset.done $0x0  }
0xa4: {  	s25 =	simm.s32 $0x1B8E;
	s24 =	sld [smem:$0x3FFE];
	[sflag:s23] =	ssyncadd.s32 $0xFFFFFFFF  }
0xa5: {  	s26 =	simm.s32 $execute0_lowered;
	[smem:$0x3FD2] =	sst s25  }
0xa6: {  	s4 =	sshll.u32 s26, $0x1;
	_ =	strace $0x8000004C;
	[dreg:$0x1] =	wrdreg $0xFFFFFFFF  }
0xa7: {  	s28 =	simm.s32 $_size_execute0_lowered;
	s2 =	sadd.s32 s2, s4;
	[dreg:$0x0] =	wrdreg $0x0  }
0xa8: {  	s4 =	sshll.u32 s28, $0x1;
	[dreg:$0x2] =	wrdreg s2  }
0xa9: {  	[dreg:$0x3] =	wrdreg s4  }
0xaa: {  	[dreg:$0x4] =	wrdreg $0xC0  }
0xab: {  	_ =	task [dreg:s6], $0x5FFFF  }
0xac: {  	[dreg:$0x1] =	wrdreg $0xFFFFFFFF  }
0xad: {  	[dreg:$0x0] =	wrdreg $0x60  }
0xae: {  	[dreg:$0x2] =	wrdreg s24  }
0xaf: {  	[dreg:$0x3] =	wrdreg $0x0  }
0xb0: {  	[dreg:$0x4] =	wrdreg $0x9  }
0xb1: {  	_ =	task.clear_ibuf [dreg:s6], $0x5FFFF;
	_ =	strace $0x9000004C  }
0xb2: {  	s29 =	simm.s32 $0x9;
	_ =	strace $0x8000004E  }
0xb3: {  	_ =	swait.ge [sflag:s29], $0x1  }
0xb4: {  	[sflag:s29] =	ssyncadd.s32 $0xFFFFFFFF  }
0xb5: {  	_ =	strace $0x9000004E  }
0xb6: {  	_ =	sfence  }
0xb7: {  	s30 =	sld [smem:$0x0];
	_ =	sdelay $0x2  }
0xb8: {  	s31 =	sshll.u32 s1, $0xD;
	s1 =	sshrl.u32 s1, $0x2  }
0xb9: {  	s3 =	sand.u32 $0x4000, s31;
	s1 =	sadd.s32 s1, s30  }
0xba: {  	s0 =	sor.u32 s3, s0;
	s1 =	sshll.u32 s1, $0x11  }
0xbb: {  	s0 =	sor.u32 s1, s0  }
0xbc: {  	s0 =	sadd.s32 $0x8F2B, s0  }
0xbd: {  	[sflag:s0] =	ssyncadd.remote.s32 $0x1  }
0xbe: {  	_ =	sfence.sel $0xFFFF  }
0xbf: {  	[dreg:$0x0] =	wrdreg $0xFFFFFFFF;
	(pc) =	sbr.abs _section_cstart, $3  }
0xc0: {  	[dreg:$0x1] =	wrdreg $0xFFFFFFFF  }
0xc1: {  	_ =	task.clear_ibuf [dreg:s6], $0x2FFFF;
	_ =	strace $0x9FFFFFFF  }
0xc2: {  	(tm) =	ssettm $0x7FFFFFFF  }
0xc3: {  	_ =	shalt  }
tec
execute0_lowered:
.L_overlay_start_1:
0x0: {  	(tag) =	ssettag $0x1  }
0x1: {  	s5 =	rddreg [dreg:$0x0]  }
0x2: {  	s0 =	srdreg.scid;
	s2 =	rddreg [dreg:$0x1];
	s3 =	simm.s32 $0x0  }
0x3: {  	s14 =	simm.s32 $0x13C00;
	s15 =	simm.s32 $0x1;
	s16 =	simm.s32 $0x16400  }
0x4: {  	s17 =	simm.s32 $0x18C00;
	s18 =	simm.s32 $0x80;
	s4 =	sand.u32 $0x1, s0  }
0x5: {  	s21 =	simm.s32 $0x0;
	s0 =	stileid.u32;
	s7 =	smul.u32 $0x13C000, s4  }
0x6: {  	[smem:$0x7FF] =	sst s3;
	s1 =	sshll.u32 s4, $0x4;
	s8 =	smul.u32 $0x13C00, s0  }
0x7: {  	s30 =	ssub.s32 $0x2, s4;
	s9 =	smul.u32 $0x4F000, s0;
	s4 =	sadd.s32 $0x1B400, s5  }
0x8: {  	s19 =	sshll.u32 s0, $0x6;
	s1 =	sor.u32 s0, s1;
	s10 =	sshrl.u32 s30, $0x1  }
0x9: {  	s19 =	sor.u32 $0x1C01, s19;
	s6 =	smul.u32 $0x2800, s1;
	s1 =	rddreg [dreg:$0x2]  }
0xa: {  	_ =	strace $0x8000004D;
	s7 =	sadd.s32 s8, s7;
	s13 =	ssub.s32 s30, s10  }
0xb: {  	s31 =	sshrl.u32 s9, $0x2;
	s7 =	sshrl.u32 s7, $0x3;
	s13 =	smax.u32 s13, $0x1  }
0xc: {  	s6 =	sshrl.u32 s6, $0x3;
	s12 =	sadd.s32 s7, s5;
	s7 =	sadd.s32 s31, s2  }
0xd: {  	s6 =	sadd.s32 s6, s5;
	s8 =	sadd.s32 $0x4000, s7;
	s9 =	sadd.s32 $0x8000, s7  }
0xe: {  	s10 =	sadd.s32 $0xC000, s7;
	s11 =	sadd.s32 $0x10000, s7;
	s12 =	sadd.s32 $0x42600, s12  }
0xf: {  	v0 =	vimm.f32 $0.0e+00;
	s20 =	sshrl.u32 s7, $0x3;
	s5 =	sadd.s32 $0x7400, s6;
	s6 =	sadd.s32 $0x11400, s6  }
.LBB2_1:
0x10: {  	[tilespmem:s14], [sflag:$0x1] =	stream.linear.gather [hbm4b:s5+s3], $0x2780, $0x38;
	[tilespmem:$0x1CC00] =	vst v63  }
0x11: {  	_ =	swait.ge [sflag:s15], $0x2780  }
0x12: {  	[sflag:s15] =	ssyncset.done $0x0  }
0x13: {  	[sflag:s15] =	ssyncadd.s32 $0xFFFFD880  }
0x14: {  	[tilespmem:s16], [sflag:$0x1] =	stream.linear.gather [hbm4b:s6+s3], $0x2780, $0x38;
	[tilespmem:$0x1CC00] =	vst v63  }
0x15: {  	_ =	swait.ge [sflag:s15], $0x2780  }
0x16: {  	[sflag:s15] =	ssyncset.done $0x0  }
0x17: {  	s22 =	simm.s32 $0x0;
	s23 =	simm.s32 $0x200;
	[sflag:s15] =	ssyncadd.s32 $0xFFFFD880  }
.LBB2_2:
0x18: {  	p0 =	sne.s32 s23, $0xFE00;
	[tilespmem:s22+$0x18C70] =	vst v0  }
0x19: {  	[tilespmem:s22+$0x18C00] =	vst v0  }
0x1a: {  	[tilespmem:s22+$0x18C10] =	vst v0  }
.Ltmp0:
0x1b: {  	[tilespmem:s22+$0x18C20] =	vst v0;
	(pc) =	sbr.rel @p0 .LBB2_2-.Ltmp0, $4  }
0x1c: {  	[tilespmem:s22+$0x18C30] =	vst v0  }
0x1d: {  	[tilespmem:s22+$0x18C40] =	vst v0  }
0x1e: {  	[tilespmem:s22+$0x18C50] =	vst v0  }
0x1f: {  	[tilespmem:s22+$0x18C60] =	vst v0;
	s22 =	sshra.s32 s23, $0x2;
	s23 =	sadd.s32 $0x200, s23  }
0x20: {  	[tilespmem:s22+$0x18C70] =	vst v0  }
0x21: {  	[tilespmem:s22+$0x18C00] =	vst v0  }
0x22: {  	[tilespmem:s22+$0x18C10] =	vst v0  }
0x23: {  	[tilespmem:s22+$0x18C20] =	vst v0  }
0x24: {  	[tilespmem:s22+$0x18C30] =	vst v0  }
0x25: {  	[tilespmem:s22+$0x18C40] =	vst v0  }
0x26: {  	[tilespmem:s22+$0x18C50] =	vst v0  }
0x27: {  	[tilespmem:s22+$0x18C60] =	vst v0  }
0x28: {  	[spmem:s7] =	stream.linear.scatter [tilespmem:s17], [sflag:$0x1], $0x4000, $0x38;
	[tilespmem:$0x1CC00] =	vst v63  }
0x29: {  	_ =	swait.ge [sflag:s15], $0x4000  }
0x2a: {  	[sflag:s15] =	ssyncset.done $0x0  }
0x2b: {  	[sflag:s15] =	ssyncadd.s32 $0xFFFFC000  }
0x2c: {  	[spmem:s8] =	stream.linear.scatter [tilespmem:s17], [sflag:$0x1], $0x4000, $0x38;
	[tilespmem:$0x1CC00] =	vst v63  }
0x2d: {  	_ =	swait.ge [sflag:s15], $0x4000  }
0x2e: {  	[sflag:s15] =	ssyncset.done $0x0  }
0x2f: {  	[sflag:s15] =	ssyncadd.s32 $0xFFFFC000  }
0x30: {  	[spmem:s9] =	stream.linear.scatter [tilespmem:s17], [sflag:$0x1], $0x4000, $0x38;
	[tilespmem:$0x1CC00] =	vst v63  }
0x31: {  	_ =	swait.ge [sflag:s15], $0x4000  }
0x32: {  	[sflag:s15] =	ssyncset.done $0x0  }
0x33: {  	[sflag:s15] =	ssyncadd.s32 $0xFFFFC000  }
0x34: {  	[spmem:s10] =	stream.linear.scatter [tilespmem:s17], [sflag:$0x1], $0x4000, $0x38;
	[tilespmem:$0x1CC00] =	vst v63  }
0x35: {  	_ =	swait.ge [sflag:s15], $0x4000  }
0x36: {  	[sflag:s15] =	ssyncset.done $0x0  }
0x37: {  	[sflag:s15] =	ssyncadd.s32 $0xFFFFC000  }
0x38: {  	[spmem:s11] =	stream.linear.scatter [tilespmem:s17], [sflag:$0x1], $0x3C00, $0x38;
	[tilespmem:$0x1CC00] =	vst v63  }
0x39: {  	_ =	swait.ge [sflag:s15], $0x3C00  }
0x3a: {  	[sflag:s15] =	ssyncset.done $0x0  }
0x3b: {  	[sflag:s15] =	ssyncadd.s32 $0xFFFFC400  }
0x3c: {  	s30 =	simm.s32 $0x13C00;
	[bflag:$0x0] =	sbarrier.arrive $0xFFFF  }
0x3d: {  	[tilespmem:s17], [sflag:$0x1] =	stream.indirect.gather [hbm4b:s4+s18], $0x80, s30, s18, $0xb8;
	[tilespmem:$0x1CC00] =	vst v63  }
0x3e: {  	_ =	swait.ge [sflag:s15], $0x4000  }
0x3f: {  	[sflag:s15] =	ssyncset.done $0x0  }
0x40: {  	s31 =	simm.s32 $0x16400;
	[sflag:s15] =	ssyncadd.s32 $0xFFFFC000  }
0x41: {  	[spmem:s2] =	stream.indirect.scatter.add.f32 [tilespmem:s17], [sflag:$0x1], $0x80, s31, s18, $0xb8;
	[tilespmem:$0x1CC00] =	vst v63  }
0x42: {  	_ =	swait.ge [sflag:s15], $0x4000  }
0x43: {  	s23 =	simm.s32 $0x400;
	s22 =	simm.s32 $0x80;
	[sflag:s15] =	ssyncset.done $0x0  }
.LBB2_4:
0x44: {  	s24 =	sadd.s32 $0x13C00, s22  }
0x45: {  	[sflag:s15] =	ssyncadd.s32 $0xFFFFC000;
	s25 =	smov.u32 s23;
	s26 =	sadd.s32 $0x200, s23  }
0x46: {  	[tilespmem:s17], [sflag:$0x1] =	stream.indirect.gather [hbm4b:s4+s18], $0x80, s24, s18, $0xb8;
	[tilespmem:$0x1CC00] =	vst v63  }
0x47: {  	p0 =	sne.s32 s23, $0x9C00;
	_ =	swait.ge [sflag:s15], $0x4000  }
.Ltmp1:
0x48: {  	[sflag:s15] =	ssyncset.done $0x0;
	(pc) =	sbr.rel @p0 .LBB2_4-.Ltmp1, $4  }
0x49: {  	s22 =	sadd.s32 $0x16400, s22;
	[sflag:s15] =	ssyncadd.s32 $0xFFFFC000  }
0x4a: {  	[spmem:s2] =	stream.indirect.scatter.add.f32 [tilespmem:s17], [sflag:$0x1], $0x80, s22, s18, $0xb8;
	[tilespmem:$0x1CC00] =	vst v63  }
0x4b: {  	_ =	swait.ge [sflag:s15], $0x4000  }
0x4c: {  	s23 =	smov.u32 s26;
	s22 =	sshra.s32 s25, $0x2;
	[sflag:s15] =	ssyncset.done $0x0  }
0x4d: {  	s23 =	sadd.s32 $0x13C00, s22;
	[sflag:s15] =	ssyncadd.s32 $0xFFFFC000  }
0x4e: {  	[tilespmem:s17], [sflag:$0x1] =	stream.indirect.gather [hbm4b:s4+s18], $0x80, s23, s18, $0xb8;
	[tilespmem:$0x1CC00] =	vst v63  }
0x4f: {  	_ =	swait.ge [sflag:s15], $0x4000  }
0x50: {  	[sflag:s15] =	ssyncset.done $0x0  }
0x51: {  	s31 =	sadd.s32 $0x16400, s22;
	[sflag:s15] =	ssyncadd.s32 $0xFFFFC000  }
0x52: {  	[spmem:s2] =	stream.indirect.scatter.add.f32 [tilespmem:s17], [sflag:$0x1], $0x80, s31, s18, $0xb8;
	[tilespmem:$0x1CC00] =	vst v63  }
0x53: {  	_ =	swait.ge [sflag:s15], $0x4000  }
0x54: {  	s21 =	sadd.s32 $0x1, s21;
	[sflag:s15] =	ssyncset.done $0x0  }
0x55: {  	p0 =	sne.s32 s21, s13;
	[sflag:s15] =	ssyncadd.s32 $0xFFFFC000  }
.Ltmp2:
0x56: {  	[bflag:$0x0] =	sbarrier.arrive $0xFFFF;
	(pc) =	sbr.rel @p0 .LBB2_1-.Ltmp2, $4  }
0x57: {  	[hbm:s12], [sflag:s19] =	dma.local [spmem:s20], $0x2780  }
0x58: {  	_ =	swait.ge [sflag:s15], $0x2780  }
0x59: {  	[sflag:s15] =	ssyncset.done $0x0  }
0x5a: {  	[sflag:s15] =	ssyncadd.s32 $0xFFFFD880  }
0x5b: {  	_ =	sfence.sel $0x180000  }
0x5c: {  	[bflag:$0x0] =	sbarrier.arrive $0xFFFF  }
0x5d: {  	p0 =	sne.s32 s0, $0x0;
	_ =	strace $0x9000004D  }
0x5e: {  	s0 =	sadd.s32 @!p0 $0x100000, s1;
	[bflag:$0x2] =	sbarrier.arrive $0xFFFF  }
0x5f: {  	[sflag:s0] =	ssyncadd.tile.s32 @!p0 $0x1;
	_ =	shalt  }
.Lfunc_end2:
_tile_overlayer_lowered:
.L_overlay_start_2:
0x60: {  	(tag) =	ssettag $0x2  }
0x61: {  	s0 =	rddreg [dreg:$0x0];
	s2 =	stileid.u32  }
0x62: {  	s1 =	rddreg [dreg:$0x1];
	p0 =	sne.s32 s2, $0x0  }
0x63: {  	s3 =	rddreg [dreg:$0x2];
	[bflag:$0x3] =	sbarrier.arrive $0xFFFF;
	s2 =	simm.s32 @!p0 $0x1C01  }
0x64: {  	[timem:s3], [sflag:s2] =	dma.local @!p0 [hbm:s0], s1  }
0x65: {  	s0 =	simm.s32 @!p0 $0x1  }
0x66: {  	_ =	swait.ge @!p0 [sflag:s0], s1  }
0x67: {  	s1 =	ssub.s32 @!p0 $0x0, s1;
	[sflag:s0] =	ssyncset.done @!p0 $0x0  }
0x68: {  	[sflag:s0] =	ssyncadd.s32 @!p0 s1  }
0x69: {  	[bflag:$0x3] =	sbarrier.arrive $0xFFFF  }
0x6a: {  	_ =	shalt  }

// kernel: kernel.9.cloned.1.call-start
scs
__scs_entry_jumppad:
0x0: {  	(pc) =	sbr.rel $0x88, $3  }
0x1: {  	(tag) =	ssettag $0x0;
	lr =	simm.s32 $0x1  }
0x2: {  	[smem:$0x3F7D] =	sst lr;
	_ =	strace $0xD0000000  }
0x3: {  	_ = 	snop  }
0x4: {  	_ = 	snop  }
0x5: {  	_ = 	snop  }
0x6: {  	_ = 	snop  }
0x7: {  	_ = 	snop  }
__scs_overlays_trampoline_lowered:
0x8: {  	[smem:$0x3F8C] =	sst s0  }
0x9: {  	[smem:$0x3F8D] =	sst s1  }
0xa: {  	[smem:$0x3F8E] =	sst s2  }
0xb: {  	[smem:$0x3F8F] =	sst s3  }
0xc: {  	[smem:$0x3F90] =	sst s4  }
0xd: {  	[smem:$0x3F91] =	sst s5  }
0xe: {  	[smem:$0x3F92] =	sst s6  }
0xf: {  	[smem:$0x3F93] =	sst s7  }
0x10: {  	[smem:$0x3F94] =	sst s8  }
0x11: {  	[smem:$0x3F95] =	sst s9;
	s0 =	simm.s32 @!p0 $0x0  }
0x12: {  	s1 =	sld [smem:$0x3F7B];
	s0 =	simm.s32 @p0 $0x1  }
0x13: {  	[smem:$0x3F96] =	sst s0;
	s0 =	simm.s32 @!p1 $0x0  }
0x14: {  	s2 =	sld [smem:$0x3F7A];
	s0 =	simm.s32 @p1 $0x1  }
0x15: {  	[smem:$0x3F97] =	sst s0;
	s0 =	simm.s32 @!p2 $0x0  }
0x16: {  	s3 =	sld [smem:$0x3FDB];
	s0 =	simm.s32 @p2 $0x1  }
0x17: {  	s4 =	simm.s32 $0x1BF5;
	[smem:$0x3F99] =	sst s0  }
0x18: {  	s0 =	sld [smem:$0x3F7C];
	_ =	swait.ge [sflag:s4], $0x0  }
0x19: {  	s7 =	sld [smem:$0x3F7D]  }
0x1a: {  	s8 =	sadd.s32 $0xFFFFE003, lr  }
0x1b: {  	s9 =	sadd.s32 $0xFFFFFEF7, lr;
	s5 =	simm.s32 $0xFFFFFFFF;
	p2 =	slt.u32 s8, $0xFFFFF086  }
0x1c: {  	p1 =	slt.u32 s9, $0xF7A;
	s5 =	simm.s32 @!p2 $0x0  }
0x1d: {  	s5 =	simm.s32 @p1 $0x1;
	p0 =	seq.s32 s7, s2  }
0x1e: {  	s7 =	smul.u32 @!p0 $0xF7A, s2;
	p2 =	seq.s32 @!p0 s5, $0x0  }
0x1f: {  	s9 =	smul.u32 $0xF7A, s1;
	s8 =	simm.s32 @!p0 $0x1BF5;
	p2 =	por !p2, p0  }
0x20: {  	[sflag:s8] =	ssyncset.s32 @!p0 $0xFFFFF086;
	s6 =	sadd.s32 @!p0 s3, s7;
	s7 =	simm.s32 @!p0 $0x108  }
0x21: {  	s3 =	sadd.s32 s3, s9;
	s6 =	sadd.s32 @!p0 $0x88, s6;
	s7 =	simm.s32 @p2 $0x1082  }
0x22: {  	[simem:s7], [sflag:s8] =	dma.local @!p0 [hbm:s6], $0xF7A  }
0x23: {  	s9 =	sor.u32 $0xD0000000, s2;
	s6 =	simm.s32 $0x108;
	_ =	swait.ge @!p0 [sflag:s8], $0x0  }
0x24: {  	s3 =	sadd.s32 $0x88, s3;
	s6 =	simm.s32 @!p1 $0x1082;
	[sflag:s4] =	ssyncset.s32 $0xFFFFF086  }
0x25: {  	[simem:s6], [sflag:s4] =	dma.local [hbm:s3], $0xF7A  }
0x26: {  	[smem:$0x3F7D] =	sst s1;
	(tag) =	ssettag s2;
	_ =	strace s9  }
0x27: {  	s1 =	sld [smem:$0x3F8D]  }
0x28: {  	s2 =	sld [smem:$0x3F8E]  }
0x29: {  	s4 =	sld [smem:$0x3F90]  }
0x2a: {  	p0 =	seq.s32 s5, $0x0;
	s5 =	sld [smem:$0x3F91]  }
0x2b: {  	s6 =	sld [smem:$0x3F92]  }
0x2c: {  	s7 =	sld [smem:$0x3F93]  }
0x2d: {  	s3 =	simm.s32 $0x108;
	s8 =	sld [smem:$0x3F94]  }
0x2e: {  	s3 =	simm.s32 @!p0 $0x1082;
	s9 =	sld [smem:$0x3F95]  }
0x2f: {  	lr =	sadd.s32 s0, s3;
	s0 =	sld [smem:$0x3F8C]  }
0x30: {  	s3 =	sld [smem:$0x3F8F]  }
0x31: {  	[smem:$0x3F98] =	sst s10  }
0x32: {  	s10 =	sld [smem:$0x3F96];
	_ =	sdelay $0x3  }
0x33: {  	p0 =	seq.s32 s10, $0x1;
	s10 =	sld [smem:$0x3F98];
	_ =	sdelay $0x3  }
0x34: {  	[smem:$0x3F98] =	sst s10  }
0x35: {  	s10 =	sld [smem:$0x3F97];
	_ =	sdelay $0x3  }
0x36: {  	p1 =	seq.s32 s10, $0x1;
	s10 =	sld [smem:$0x3F98];
	_ =	sdelay $0x3  }
0x37: {  	[smem:$0x3F98] =	sst s10  }
0x38: {  	s10 =	sld [smem:$0x3F99]  }
0x39: {  	_ = 	snop;
	(pc) =	sbr.ind lr, $3  }
0x3a: {  	_ = 	snop  }
0x3b: {  	_ = 	snop  }
0x3c: {  	p2 =	seq.s32 s10, $0x1;
	s10 =	sld [smem:$0x3F98]  }
0x3d: {  	_ =	shalt  }
0x3e: {  	_ =	shalt  }
0x3f: {  	_ =	shalt  }
0x40: {  	_ =	shalt  }
0x41: {  	_ =	shalt  }
0x42: {  	_ =	shalt  }
0x43: {  	_ =	shalt  }
0x44: {  	_ =	shalt  }
0x45: {  	_ =	shalt  }
0x46: {  	_ =	shalt  }
0x47: {  	_ =	shalt  }
0x48: {  	_ =	shalt  }
0x49: {  	_ =	shalt  }
0x4a: {  	_ =	shalt  }
0x4b: {  	_ =	shalt  }
0x4c: {  	_ =	shalt  }
0x4d: {  	_ =	shalt  }
0x4e: {  	_ =	shalt  }
0x4f: {  	_ =	shalt  }
0x50: {  	_ =	shalt  }
0x51: {  	_ =	shalt  }
0x52: {  	_ =	shalt  }
0x53: {  	_ =	shalt  }
0x54: {  	_ =	shalt  }
0x55: {  	_ =	shalt  }
0x56: {  	_ =	shalt  }
0x57: {  	_ =	shalt  }
0x58: {  	_ =	shalt  }
0x59: {  	_ =	shalt  }
0x5a: {  	_ =	shalt  }
0x5b: {  	_ =	shalt  }
0x5c: {  	_ =	shalt  }
0x5d: {  	_ =	shalt  }
0x5e: {  	_ =	shalt  }
0x5f: {  	_ =	shalt  }
0x60: {  	_ =	shalt  }
0x61: {  	_ =	shalt  }
0x62: {  	_ =	shalt  }
0x63: {  	_ =	shalt  }
0x64: {  	_ =	shalt  }
0x65: {  	_ =	shalt  }
0x66: {  	_ =	shalt  }
0x67: {  	_ =	shalt  }
0x68: {  	_ =	shalt  }
0x69: {  	_ =	shalt  }
0x6a: {  	_ =	shalt  }
0x6b: {  	_ =	shalt  }
0x6c: {  	_ =	shalt  }
0x6d: {  	_ =	shalt  }
0x6e: {  	_ =	shalt  }
0x6f: {  	_ =	shalt  }
0x70: {  	_ =	shalt  }
0x71: {  	_ =	shalt  }
0x72: {  	_ =	shalt  }
0x73: {  	_ =	shalt  }
0x74: {  	_ =	shalt  }
0x75: {  	_ =	shalt  }
0x76: {  	_ =	shalt  }
0x77: {  	_ =	shalt  }
0x78: {  	_ =	shalt  }
0x79: {  	_ =	shalt  }
0x7a: {  	_ =	shalt  }
0x7b: {  	_ =	shalt  }
0x7c: {  	_ =	shalt  }
0x7d: {  	_ =	shalt  }
0x7e: {  	_ =	shalt  }
0x7f: {  	_ =	shalt  }
0x80: {  	_ =	shalt  }
0x81: {  	_ =	shalt  }
0x82: {  	_ =	shalt  }
0x83: {  	_ =	shalt  }
0x84: {  	_ =	shalt  }
0x85: {  	_ =	shalt  }
0x86: {  	_ =	shalt  }
0x87: {  	_ =	shalt  }
.Lfunc_end0:
.L_simem_size_0:
called_computation_lowered:
.L_overlay_start_0:
0x88: {  	s2 =	sld [smem:$0x3FD9]  }
0x89: {  	s3 =	sld [smem:$0x3FFE];
	_ =	sdelay $0x1  }
0x8a: {  	s1 =	srdreg.scid  }
0x8b: {  	s0 =	sand.u32 $0x1, s1  }
0x8c: {  	s17 =	sshll.u32 s0, $0xA;
	s2 =	sadd.s32 s3, s2  }
0x8d: {  	s2 =	sadd.s32 s2, s17  }
0x8e: {  	[smem:$0x3FA4] =	sst s2  }
0x8f: {  	_ = 	snop  }
0x90: {  	s2 =	sld [smem:$0x3FC9];
	(tm) =	ssettm $0x1  }
0x91: {  	s18 =	sld [smem:$0x3FFB];
	_ =	sdelay $0x3  }
0x92: {  	_ =	strace s18  }
0x93: {  	s3 =	sld [smem:$0x3FFC];
	_ =	sdelay $0x3  }
0x94: {  	_ =	strace s3  }
0x95: {  	s3 =	sld [smem:$0x3FFD];
	_ =	sdelay $0x3  }
0x96: {  	_ =	strace s3  }
0x97: {  	_ =	strace $0x8FFFFFFF  }
0x98: {  	s19 =	sld [smem:$0x3FDB];
	_ =	sdelay $0x1  }
0x99: {  	s4 =	simm.s32 $_scs_section_size  }
0x9a: {  	s5 =	simm.s32 $_size__tile_overlayer_lowered;
	s6 =	simm.s32 $_tile_overlayer_lowered  }
0x9b: {  	s22 =	simm.s32 $0x1BFF;
	s21 =	sshll.u32 s6, $0x1;
	s3 =	sadd.s32 s4, s19  }
0x9c: {  	s7 =	simm.s32 $0x0;
	s20 =	sshll.u32 s5, $0x1;
	s5 =	sadd.s32 s21, s3  }
0x9d: {  	[timem:s7], [sflag:s22] =	dma.local [hbm:s5], s20  }
0x9e: {  	_ =	swait.ge [sflag:s22], s20  }
0x9f: {  	s4 =	ssub.s32 $0x0, s20;
	[sflag:s22] =	ssyncset.done $0x0  }
0xa0: {  	[sflag:s22] =	ssyncadd.s32 s4;
	_ =	sdelay $0x1  }
0xa1: {  	s23 =	simm.s32 $0x1B8B  }
0xa2: {  	_ =	swait.ge [sflag:s23], $0x1  }
0xa3: {  	[sflag:s23] =	ssyncset.done $0x0  }
0xa4: {  	s25 =	simm.s32 $0x1B8E;
	s24 =	sld [smem:$0x3FFE];
	[sflag:s23] =	ssyncadd.s32 $0xFFFFFFFF  }
0xa5: {  	s26 =	simm.s32 $execute0_lowered;
	[smem:$0x3FD2] =	sst s25  }
0xa6: {  	s5 =	sshll.u32 s26, $0x1;
	_ =	strace $0x80000046;
	[dreg:$0x1] =	wrdreg $0xFFFFFFFF  }
0xa7: {  	s28 =	simm.s32 $_size_execute0_lowered;
	s3 =	sadd.s32 s3, s5;
	[dreg:$0x0] =	wrdreg $0x0  }
0xa8: {  	s5 =	sshll.u32 s28, $0x1;
	[dreg:$0x2] =	wrdreg s3  }
0xa9: {  	[dreg:$0x3] =	wrdreg s5  }
0xaa: {  	[dreg:$0x4] =	wrdreg $0xC0  }
0xab: {  	_ =	task [dreg:s7], $0x5FFFF  }
0xac: {  	[dreg:$0x1] =	wrdreg $0xFFFFFFFF  }
0xad: {  	[dreg:$0x0] =	wrdreg $0x60  }
0xae: {  	[dreg:$0x2] =	wrdreg s24  }
0xaf: {  	[dreg:$0x3] =	wrdreg s2  }
0xb0: {  	[dreg:$0x4] =	wrdreg $0x0  }
0xb1: {  	[dreg:$0x5] =	wrdreg $0x9  }
0xb2: {  	_ =	task.clear_ibuf [dreg:s7], $0x6FFFF;
	_ =	strace $0x90000046  }
0xb3: {  	s29 =	simm.s32 $0x9;
	_ =	strace $0x80000048  }
0xb4: {  	_ =	swait.ge [sflag:s29], $0x1  }
0xb5: {  	[sflag:s29] =	ssyncadd.s32 $0xFFFFFFFF  }
0xb6: {  	_ =	strace $0x90000048  }
0xb7: {  	_ =	sfence  }
0xb8: {  	s30 =	sld [smem:$0x0];
	_ =	sdelay $0x2  }
0xb9: {  	s31 =	sshll.u32 s1, $0xD;
	s1 =	sshrl.u32 s1, $0x2  }
0xba: {  	s3 =	sand.u32 $0x4000, s31;
	s1 =	sadd.s32 s1, s30  }
0xbb: {  	s0 =	sor.u32 s3, s0;
	s1 =	sshll.u32 s1, $0x11  }
0xbc: {  	s0 =	sor.u32 s1, s0  }
0xbd: {  	s0 =	sadd.s32 $0x8F2B, s0  }
0xbe: {  	[sflag:s0] =	ssyncadd.remote.s32 $0x1  }
0xbf: {  	_ =	sfence.sel $0xFFFF  }
0xc0: {  	[dreg:$0x0] =	wrdreg $0xFFFFFFFF;
	(pc) =	sbr.abs _section_cstart, $3  }
0xc1: {  	[dreg:$0x1] =	wrdreg $0xFFFFFFFF  }
0xc2: {  	_ =	task.clear_ibuf [dreg:s7], $0x2FFFF;
	_ =	strace $0x9FFFFFFF  }
0xc3: {  	(tm) =	ssettm $0x7FFFFFFF  }
tec
execute0_lowered:
.L_overlay_start_1:
0x0: {  	(tag) =	ssettag $0x1  }
0x1: {  	s6 =	rddreg [dreg:$0x0]  }
0x2: {  	s2 =	rddreg [dreg:$0x1]  }
0x3: {  	s0 =	srdreg.scid;
	s3 =	rddreg [dreg:$0x2]  }
0x4: {  	s4 =	simm.s32 $0x0;
	s14 =	simm.s32 $0x13C00;
	s15 =	simm.s32 $0x1  }
0x5: {  	s16 =	simm.s32 $0x16400;
	s17 =	simm.s32 $0x18C00;
	s5 =	sand.u32 $0x1, s0  }
0x6: {  	s18 =	simm.s32 $0x80;
	s0 =	stileid.u32;
	s8 =	smul.u32 $0x13C000, s5  }
0x7: {  	s21 =	simm.s32 $0x0;
	[smem:$0x7FF] =	sst s4;
	s9 =	smul.u32 $0x13C00, s0  }
0x8: {  	s1 =	sshll.u32 s5, $0x4;
	s5 =	ssub.s32 $0x2, s5;
	s30 =	smul.u32 $0x4F000, s0  }
0x9: {  	s19 =	sshll.u32 s0, $0x6;
	s1 =	sor.u32 s0, s1;
	s10 =	sshrl.u32 s5, $0x1  }
0xa: {  	s19 =	sor.u32 $0x1C01, s19;
	s7 =	smul.u32 $0x2800, s1;
	s1 =	rddreg [dreg:$0x3]  }
0xb: {  	_ =	strace $0x80000047;
	s8 =	sadd.s32 s9, s8;
	s13 =	ssub.s32 s5, s10  }
0xc: {  	s31 =	sshrl.u32 s30, $0x2;
	s8 =	sshrl.u32 s8, $0x3;
	s7 =	sshrl.u32 s7, $0x3  }
0xd: {  	s13 =	smax.u32 s13, $0x1;
	s12 =	sadd.s32 s8, s6;
	s7 =	sadd.s32 s7, s6  }
0xe: {  	s5 =	sadd.s32 $0x7400, s7;
	s6 =	sadd.s32 $0x11400, s7;
	s7 =	sadd.s32 s31, s3  }
0xf: {  	s12 =	sadd.s32 $0x1B400, s12;
	s8 =	sadd.s32 $0x4000, s7;
	s9 =	sadd.s32 $0x8000, s7  }
0x10: {  	v0 =	vimm.f32 $0.0e+00;
	s10 =	sadd.s32 $0xC000, s7;
	s11 =	sadd.s32 $0x10000, s7;
	s20 =	sshrl.u32 s7, $0x3  }
.LBB2_1:
0x11: {  	[tilespmem:s14], [sflag:$0x1] =	stream.linear.gather [hbm4b:s5+s4], $0x2780, $0x38;
	[tilespmem:$0x1CC00] =	vst v63  }
0x12: {  	_ =	swait.ge [sflag:s15], $0x2780  }
0x13: {  	[sflag:s15] =	ssyncset.done $0x0  }
0x14: {  	[sflag:s15] =	ssyncadd.s32 $0xFFFFD880  }
0x15: {  	[tilespmem:s16], [sflag:$0x1] =	stream.linear.gather [hbm4b:s6+s4], $0x2780, $0x38;
	[tilespmem:$0x1CC00] =	vst v63  }
0x16: {  	_ =	swait.ge [sflag:s15], $0x2780  }
0x17: {  	[sflag:s15] =	ssyncset.done $0x0  }
0x18: {  	s22 =	simm.s32 $0x0;
	s23 =	simm.s32 $0x200;
	[sflag:s15] =	ssyncadd.s32 $0xFFFFD880  }
.LBB2_2:
0x19: {  	p0 =	sne.s32 s23, $0xFE00;
	[tilespmem:s22+$0x18C70] =	vst v0  }
0x1a: {  	[tilespmem:s22+$0x18C00] =	vst v0  }
0x1b: {  	[tilespmem:s22+$0x18C10] =	vst v0  }
.Ltmp0:
0x1c: {  	[tilespmem:s22+$0x18C20] =	vst v0;
	(pc) =	sbr.rel @p0 .LBB2_2-.Ltmp0, $4  }
0x1d: {  	[tilespmem:s22+$0x18C30] =	vst v0  }
0x1e: {  	[tilespmem:s22+$0x18C40] =	vst v0  }
0x1f: {  	[tilespmem:s22+$0x18C50] =	vst v0  }
0x20: {  	[tilespmem:s22+$0x18C60] =	vst v0;
	s22 =	sshra.s32 s23, $0x2;
	s23 =	sadd.s32 $0x200, s23  }
0x21: {  	[tilespmem:s22+$0x18C70] =	vst v0  }
0x22: {  	[tilespmem:s22+$0x18C00] =	vst v0  }
0x23: {  	[tilespmem:s22+$0x18C10] =	vst v0  }
0x24: {  	[tilespmem:s22+$0x18C20] =	vst v0  }
0x25: {  	[tilespmem:s22+$0x18C30] =	vst v0  }
0x26: {  	[tilespmem:s22+$0x18C40] =	vst v0  }
0x27: {  	[tilespmem:s22+$0x18C50] =	vst v0  }
0x28: {  	[tilespmem:s22+$0x18C60] =	vst v0  }
0x29: {  	[spmem:s7] =	stream.linear.scatter [tilespmem:s17], [sflag:$0x1], $0x4000, $0x38;
	[tilespmem:$0x1CC00] =	vst v63  }
0x2a: {  	_ =	swait.ge [sflag:s15], $0x4000  }
0x2b: {  	[sflag:s15] =	ssyncset.done $0x0  }
0x2c: {  	[sflag:s15] =	ssyncadd.s32 $0xFFFFC000  }
0x2d: {  	[spmem:s8] =	stream.linear.scatter [tilespmem:s17], [sflag:$0x1], $0x4000, $0x38;
	[tilespmem:$0x1CC00] =	vst v63  }
0x2e: {  	_ =	swait.ge [sflag:s15], $0x4000  }
0x2f: {  	[sflag:s15] =	ssyncset.done $0x0  }
0x30: {  	[sflag:s15] =	ssyncadd.s32 $0xFFFFC000  }
0x31: {  	[spmem:s9] =	stream.linear.scatter [tilespmem:s17], [sflag:$0x1], $0x4000, $0x38;
	[tilespmem:$0x1CC00] =	vst v63  }
0x32: {  	_ =	swait.ge [sflag:s15], $0x4000  }
0x33: {  	[sflag:s15] =	ssyncset.done $0x0  }
0x34: {  	[sflag:s15] =	ssyncadd.s32 $0xFFFFC000  }
0x35: {  	[spmem:s10] =	stream.linear.scatter [tilespmem:s17], [sflag:$0x1], $0x4000, $0x38;
	[tilespmem:$0x1CC00] =	vst v63  }
0x36: {  	_ =	swait.ge [sflag:s15], $0x4000  }
0x37: {  	[sflag:s15] =	ssyncset.done $0x0  }
0x38: {  	[sflag:s15] =	ssyncadd.s32 $0xFFFFC000  }
0x39: {  	[spmem:s11] =	stream.linear.scatter [tilespmem:s17], [sflag:$0x1], $0x3C00, $0x38;
	[tilespmem:$0x1CC00] =	vst v63  }
0x3a: {  	_ =	swait.ge [sflag:s15], $0x3C00  }
0x3b: {  	[sflag:s15] =	ssyncset.done $0x0  }
0x3c: {  	[sflag:s15] =	ssyncadd.s32 $0xFFFFC400  }
0x3d: {  	s30 =	simm.s32 $0x13C00;
	[bflag:$0x0] =	sbarrier.arrive $0xFFFF  }
0x3e: {  	[tilespmem:s17], [sflag:$0x1] =	stream.indirect.gather [hbm4b:s2+s18], $0x80, s30, s18, $0xb8;
	[tilespmem:$0x1CC00] =	vst v63  }
0x3f: {  	_ =	swait.ge [sflag:s15], $0x4000  }
0x40: {  	[sflag:s15] =	ssyncset.done $0x0  }
0x41: {  	s31 =	simm.s32 $0x16400;
	[sflag:s15] =	ssyncadd.s32 $0xFFFFC000  }
0x42: {  	[spmem:s3] =	stream.indirect.scatter.add.f32 [tilespmem:s17], [sflag:$0x1], $0x80, s31, s18, $0xb8;
	[tilespmem:$0x1CC00] =	vst v63  }
0x43: {  	_ =	swait.ge [sflag:s15], $0x4000  }
0x44: {  	s23 =	simm.s32 $0x400;
	s22 =	simm.s32 $0x80;
	[sflag:s15] =	ssyncset.done $0x0  }
.LBB2_4:
0x45: {  	s24 =	sadd.s32 $0x13C00, s22  }
0x46: {  	[sflag:s15] =	ssyncadd.s32 $0xFFFFC000;
	s25 =	smov.u32 s23;
	s26 =	sadd.s32 $0x200, s23  }
0x47: {  	[tilespmem:s17], [sflag:$0x1] =	stream.indirect.gather [hbm4b:s2+s18], $0x80, s24, s18, $0xb8;
	[tilespmem:$0x1CC00] =	vst v63  }
0x48: {  	p0 =	sne.s32 s23, $0x9C00;
	_ =	swait.ge [sflag:s15], $0x4000  }
.Ltmp1:
0x49: {  	[sflag:s15] =	ssyncset.done $0x0;
	(pc) =	sbr.rel @p0 .LBB2_4-.Ltmp1, $4  }
0x4a: {  	s22 =	sadd.s32 $0x16400, s22;
	[sflag:s15] =	ssyncadd.s32 $0xFFFFC000  }
0x4b: {  	[spmem:s3] =	stream.indirect.scatter.add.f32 [tilespmem:s17], [sflag:$0x1], $0x80, s22, s18, $0xb8;
	[tilespmem:$0x1CC00] =	vst v63  }
0x4c: {  	_ =	swait.ge [sflag:s15], $0x4000  }
0x4d: {  	s23 =	smov.u32 s26;
	s22 =	sshra.s32 s25, $0x2;
	[sflag:s15] =	ssyncset.done $0x0  }
0x4e: {  	s23 =	sadd.s32 $0x13C00, s22;
	[sflag:s15] =	ssyncadd.s32 $0xFFFFC000  }
0x4f: {  	[tilespmem:s17], [sflag:$0x1] =	stream.indirect.gather [hbm4b:s2+s18], $0x80, s23, s18, $0xb8;
	[tilespmem:$0x1CC00] =	vst v63  }
0x50: {  	_ =	swait.ge [sflag:s15], $0x4000  }
0x51: {  	[sflag:s15] =	ssyncset.done $0x0  }
0x52: {  	s31 =	sadd.s32 $0x16400, s22;
	[sflag:s15] =	ssyncadd.s32 $0xFFFFC000  }
0x53: {  	[spmem:s3] =	stream.indirect.scatter.add.f32 [tilespmem:s17], [sflag:$0x1], $0x80, s31, s18, $0xb8;
	[tilespmem:$0x1CC00] =	vst v63  }
0x54: {  	_ =	swait.ge [sflag:s15], $0x4000  }
0x55: {  	s21 =	sadd.s32 $0x1, s21;
	[sflag:s15] =	ssyncset.done $0x0  }
0x56: {  	p0 =	sne.s32 s21, s13;
	[sflag:s15] =	ssyncadd.s32 $0xFFFFC000  }
.Ltmp2:
0x57: {  	[bflag:$0x0] =	sbarrier.arrive $0xFFFF;
	(pc) =	sbr.rel @p0 .LBB2_1-.Ltmp2, $4  }
0x58: {  	[hbm:s12], [sflag:s19] =	dma.local [spmem:s20], $0x2780  }
0x59: {  	_ =	swait.ge [sflag:s15], $0x2780  }
0x5a: {  	[sflag:s15] =	ssyncset.done $0x0  }
0x5b: {  	[sflag:s15] =	ssyncadd.s32 $0xFFFFD880  }
0x5c: {  	_ =	sfence.sel $0x180000  }
0x5d: {  	[bflag:$0x0] =	sbarrier.arrive $0xFFFF  }
0x5e: {  	p0 =	sne.s32 s0, $0x0;
	_ =	strace $0x90000047  }
0x5f: {  	s0 =	sadd.s32 @!p0 $0x100000, s1;
	[bflag:$0x2] =	sbarrier.arrive $0xFFFF  }
0x60: {  	[sflag:s0] =	ssyncadd.tile.s32 @!p0 $0x1;
	_ =	shalt  }
.Lfunc_end2:
_tile_overlayer_lowered:
.L_overlay_start_2:
0x61: {  	(tag) =	ssettag $0x2  }
0x62: {  	s0 =	rddreg [dreg:$0x0];
	s2 =	stileid.u32  }
0x63: {  	s1 =	rddreg [dreg:$0x1];
	p0 =	sne.s32 s2, $0x0  }
0x64: {  	s3 =	rddreg [dreg:$0x2];
	[bflag:$0x3] =	sbarrier.arrive $0xFFFF;
	s2 =	simm.s32 @!p0 $0x1C01  }
0x65: {  	[timem:s3], [sflag:s2] =	dma.local @!p0 [hbm:s0], s1  }
0x66: {  	s0 =	simm.s32 @!p0 $0x1  }
0x67: {  	_ =	swait.ge @!p0 [sflag:s0], s1  }
0x68: {  	s1 =	ssub.s32 @!p0 $0x0, s1;
	[sflag:s0] =	ssyncset.done @!p0 $0x0  }
0x69: {  	[sflag:s0] =	ssyncadd.s32 @!p0 s1  }
0x6a: {  	[bflag:$0x3] =	sbarrier.arrive $0xFFFF  }
0x6b: {  	_ =	shalt  }

</sc_bundles>
